<compile_context>
chip_gen: v7x
topology: tpu7x:2x2x1
jax: 0.10.2.dev20260603
libtpu: 0.0.44.dev20260713+nightly
codegen_flags: <defaults>
</compile_context>

<pallas_src>
import functools

import jax
import jax.numpy as jnp
from jax import lax
from jax.experimental import pallas as pl
from jax.experimental.pallas import tpu as pltpu
from jax.experimental.pallas import tpu_sc as plsc

VOC = 100000
DIM = 64
MAXLEN = 200
B = 4096
L = 200

NC = 2
NS = 16
LANES = 16
NW = NC * NS
ROWS = B * L
ROWS_PER_W = ROWS // NW
CHUNK = 100
NCHUNK = ROWS_PER_W // CHUNK
NVEC = DIM // LANES


def _rsqrt(x):
    bits = lax.bitcast_convert_type(x, jnp.int32)
    y = lax.bitcast_convert_type(jnp.int32(0x5F3759DF) - (bits >> 1), jnp.float32)
    for _ in range(3):
        y = y * (1.5 - 0.5 * x * y * y)
    return y


def _emb_body(idx_hbm, w_hbm, p_hbm, gamma_hbm, beta_hbm, out_hbm,
              idx_v, rows_v, p_v, g_v, b_v, sem0, sem1):
    wid = lax.axis_index("s") * NC + lax.axis_index("c")

    pltpu.sync_copy(idx_hbm.at[wid], idx_v)
    pltpu.sync_copy(p_hbm, p_v)
    pltpu.sync_copy(gamma_hbm, g_v)
    pltpu.sync_copy(beta_hbm, b_v)

    g = [g_v[pl.ds(16 * j, 16)] for j in range(NVEC)]
    bta = [b_v[pl.ds(16 * j, 16)] for j in range(NVEC)]
    sems = (sem0, sem1)

    def gather(c, buf):
        return pltpu.make_async_copy(
            w_hbm.at[idx_v.at[c]], rows_v.at[buf], sems[buf])

    def compute(buf, p_off):
        def row_body(i, _):
            w = [rows_v[buf, i, pl.ds(16 * j, 16)] for j in range(NVEC)]
            p = [p_v[p_off + i, pl.ds(16 * j, 16)] for j in range(NVEC)]
            v = [w[j] + p[j] for j in range(NVEC)]
            acc = (v[0] + v[1]) + (v[2] + v[3])
            acc2 = ((v[0] * v[0] + v[1] * v[1])
                    + (v[2] * v[2] + v[3] * v[3]))
            s1 = jnp.broadcast_to(jnp.sum(acc), (LANES,))
            s2 = jnp.broadcast_to(jnp.sum(acc2), (LANES,))
            mean = s1 * (1.0 / DIM)
            var = s2 * (1.0 / DIM) - mean * mean
            r = _rsqrt(var + 1e-5)
            for j in range(NVEC):
                rows_v[buf, i, pl.ds(16 * j, 16)] = (
                    (v[j] - mean) * r * g[j] + bta[j])
            return _
        lax.fori_loop(0, CHUNK, row_body, None)

    gather(0, 0).start()

    def pair_body(t, _):
        c0 = 2 * t
        gather(c0 + 1, 1).start()
        gather(c0, 0).wait()
        compute(0, 0)
        pltpu.sync_copy(rows_v.at[0], out_hbm.at[wid, c0])

        @pl.when(c0 + 2 < NCHUNK)
        def _fire():
            gather(c0 + 2, 0).start()

        gather(c0 + 1, 1).wait()
        compute(1, CHUNK)
        pltpu.sync_copy(rows_v.at[1], out_hbm.at[wid, c0 + 1])
        return _

    lax.fori_loop(0, NCHUNK // 2, pair_body, None)


@jax.jit
def _emb_kernel(idx, w, p, gamma, beta):
    mesh = plsc.VectorSubcoreMesh(core_axis_name="c", subcore_axis_name="s")
    f = functools.partial(
        pl.kernel,
        mesh=mesh,
        compiler_params=pltpu.CompilerParams(
            needs_layout_passes=False, use_tc_tiling_on_sc=False),
        out_type=jax.ShapeDtypeStruct((NW, NCHUNK, CHUNK, DIM), jnp.float32),
        scratch_types=[
            pltpu.VMEM((NCHUNK, CHUNK), jnp.int32),
            pltpu.VMEM((2, CHUNK, DIM), jnp.float32),
            pltpu.VMEM((MAXLEN, DIM), jnp.float32),
            pltpu.VMEM((DIM,), jnp.float32),
            pltpu.VMEM((DIM,), jnp.float32),
            pltpu.SemaphoreType.DMA,
            pltpu.SemaphoreType.DMA,
        ],
    )(_emb_body)
    return f(idx, w, p, gamma, beta)


def kernel(input, W, P, gamma, beta):
    idx = input.reshape(NW, NCHUNK, CHUNK).astype(jnp.int32)
    out = _emb_kernel(idx, W, P, gamma, beta)
    return out.reshape(B, L, DIM)

# --- scband reference (transcript-rebuilt; emitter-appended) ---
"""Pipeline reference for scband-mini-bert-embedding-1529008357466 (READ-ONLY COPY).

The authoritative reference and input builder live on the scoring server;
editing this copy changes nothing except your own understanding.
"""

import jax, jax.numpy as jnp
import numpy as np

VOC = 100000
DIM = 64
MAXLEN = 200
B = 4096
L = 200


def setup_inputs(seed: int = 0) -> dict:
    key = jax.random.key(seed)
    k1, k2, k3 = jax.random.split(key, 3)
    inp = jax.random.randint(k1, (B, L), 0, VOC, dtype=jnp.int64 if jax.config.jax_enable_x64 else jnp.int32)
    W = jax.random.normal(k2, (VOC, DIM), dtype=jnp.float32) * 0.02
    P = jax.random.normal(k3, (MAXLEN, DIM), dtype=jnp.float32) * 0.02
    gamma = jnp.ones((DIM,), dtype=jnp.float32)
    beta = jnp.zeros((DIM,), dtype=jnp.float32)
    return {"input": inp, "W": W, "P": P, "gamma": gamma, "beta": beta}


def reference(input, W, P, gamma, beta):
    # word embedding lookup
    seq_len = input.shape[-1]
    word_emb = jnp.take(W, input, axis=0)  # [B, L, D]
    # trained positional embedding: position_ids[:, :seq_len]
    pos_ids = jnp.arange(seq_len)
    pos_emb = jnp.take(P, pos_ids, axis=0)[None, :, :]  # [1, L, D]
    emb = word_emb + pos_emb
    # LayerNorm over last dim (eps=1e-5, torch default)
    mean = jnp.mean(emb, axis=-1, keepdims=True)
    var = jnp.mean((emb - mean) ** 2, axis=-1, keepdims=True)
    normed = (emb - mean) * jax.lax.rsqrt(var + 1e-5)
    return normed * gamma + beta

if __name__ == "__main__":
    import jax
    _d = setup_inputs()
    print(jax.jit(kernel)(*tuple(_d.values())))

</pallas_src>

<mosaic_0001>
#map = affine_map<(d0, d1) -> (0, 0, 0)>
#map1 = affine_map<(d0, d1) -> (0, 0)>
#map2 = affine_map<(d0, d1) -> (0)>
#map3 = affine_map<(d0, d1) -> (0, 0, 0, 0)>
module attributes {stable_mosaic.version = 14 : i64} {
  func.func @_emb_body(%arg0: i32, %arg1: i32, %arg2: memref<32x256x100xi32, #tpu.memory_space<hbm>>, %arg3: memref<100000x64xf32, #tpu.memory_space<hbm>>, %arg4: memref<200x64xf32, #tpu.memory_space<hbm>>, %arg5: memref<64xf32, #tpu.memory_space<hbm>>, %arg6: memref<64xf32, #tpu.memory_space<hbm>>, %arg7: memref<32x256x100x64xf32, #tpu.memory_space<hbm>>, %arg8: memref<256x100xi32, #tpu.memory_space<vmem>>, %arg9: memref<2x100x64xf32, #tpu.memory_space<vmem>>, %arg10: memref<200x64xf32, #tpu.memory_space<vmem>>, %arg11: memref<64xf32, #tpu.memory_space<vmem>>, %arg12: memref<64xf32, #tpu.memory_space<vmem>>, %arg13: memref<!tpu.dma_semaphore, #tpu.memory_space<semaphore_mem>>, %arg14: memref<!tpu.dma_semaphore, #tpu.memory_space<semaphore_mem>>) attributes {dimension_semantics = [#tpu.dimension_semantics<core_parallel>, #tpu.dimension_semantics<subcore_parallel>], iteration_bounds = array<i64: 2, 16>, scalar_prefetch = 0 : i64, scratch_operands = 7 : i64, tpu.core_type = #tpu.core_type<sc_vector_subcore>, window_params = [{transform_indices = #map}, {transform_indices = #map1}, {transform_indices = #map1}, {transform_indices = #map2}, {transform_indices = #map2}, {transform_indices = #map3}]} {
    %mul3A = arith.constant 2 : i32
    %mul3A_0 = arith.muli %arg1, %mul3A : i32
    %add3A = arith.addi %mul3A_0, %arg0 : i32
    "tpu.region"() ({
      %run_scoped3A = tpu.sem_alloc : memref<!tpu.dma_semaphore, #tpu.memory_space<semaphore_mem>>
      %dma_start3A_31 = arith.constant 0 : i32
      %dma_start3A_32 = arith.constant 0 : i32
      %dma_start3A_33 = tpu.memref_slice %arg2[%add3A, %dma_start3A_31, %dma_start3A_32] : memref<32x256x100xi32, #tpu.memory_space<hbm>> -> memref<1x256x100xi32, #tpu.memory_space<hbm>>
      %dma_start3A_34 = tpu.memref_squeeze %dma_start3A_33 : memref<1x256x100xi32, #tpu.memory_space<hbm>> -> memref<256x100xi32, #tpu.memory_space<hbm>>
      %dma_start3A_35 = arith.constant 0 : i32
      %dma_start3A_36 = arith.constant 0 : i32
      %dma_start3A_37 = tpu.memref_slice %arg2[%add3A, %dma_start3A_35, %dma_start3A_36] : memref<32x256x100xi32, #tpu.memory_space<hbm>> -> memref<1x256x100xi32, #tpu.memory_space<hbm>>
      %dma_start3A_38 = tpu.memref_squeeze %dma_start3A_37 : memref<1x256x100xi32, #tpu.memory_space<hbm>> -> memref<256x100xi32, #tpu.memory_space<hbm>>
      tpu.enqueue_dma source(%dma_start3A_38 : memref<256x100xi32, #tpu.memory_space<hbm>>) target(%arg8 : memref<256x100xi32, #tpu.memory_space<vmem>>) target_semaphore(%run_scoped3A : memref<!tpu.dma_semaphore, #tpu.memory_space<semaphore_mem>>)
      %dma_wait3A = arith.constant 0 : i32
      %dma_wait3A_39 = arith.constant 0 : i32
      %dma_wait3A_40 = tpu.memref_slice %arg2[%add3A, %dma_wait3A, %dma_wait3A_39] : memref<32x256x100xi32, #tpu.memory_space<hbm>> -> memref<1x256x100xi32, #tpu.memory_space<hbm>>
      %dma_wait3A_41 = tpu.memref_squeeze %dma_wait3A_40 : memref<1x256x100xi32, #tpu.memory_space<hbm>> -> memref<256x100xi32, #tpu.memory_space<hbm>>
      %dma_wait3A_42 = arith.constant 0 : i32
      %dma_wait3A_43 = arith.constant 0 : i32
      %dma_wait3A_44 = tpu.memref_slice %arg2[%add3A, %dma_wait3A_42, %dma_wait3A_43] : memref<32x256x100xi32, #tpu.memory_space<hbm>> -> memref<1x256x100xi32, #tpu.memory_space<hbm>>
      %dma_wait3A_45 = tpu.memref_squeeze %dma_wait3A_44 : memref<1x256x100xi32, #tpu.memory_space<hbm>> -> memref<256x100xi32, #tpu.memory_space<hbm>>
      tpu.wait_dma2 semaphore(%run_scoped3A : memref<!tpu.dma_semaphore, #tpu.memory_space<semaphore_mem>>) src(%dma_wait3A_45 : memref<256x100xi32, #tpu.memory_space<hbm>>) dst(%arg8 : memref<256x100xi32, #tpu.memory_space<vmem>>)
      tpu.yield
    }) : () -> ()
    "tpu.region"() ({
      %run_scoped3A = tpu.sem_alloc : memref<!tpu.dma_semaphore, #tpu.memory_space<semaphore_mem>>
      tpu.enqueue_dma source(%arg4 : memref<200x64xf32, #tpu.memory_space<hbm>>) target(%arg10 : memref<200x64xf32, #tpu.memory_space<vmem>>) target_semaphore(%run_scoped3A : memref<!tpu.dma_semaphore, #tpu.memory_space<semaphore_mem>>)
      tpu.wait_dma2 semaphore(%run_scoped3A : memref<!tpu.dma_semaphore, #tpu.memory_space<semaphore_mem>>) src(%arg4 : memref<200x64xf32, #tpu.memory_space<hbm>>) dst(%arg10 : memref<200x64xf32, #tpu.memory_space<vmem>>)
      tpu.yield
    }) : () -> ()
    "tpu.region"() ({
      %run_scoped3A = tpu.sem_alloc : memref<!tpu.dma_semaphore, #tpu.memory_space<semaphore_mem>>
      tpu.enqueue_dma source(%arg5 : memref<64xf32, #tpu.memory_space<hbm>>) target(%arg11 : memref<64xf32, #tpu.memory_space<vmem>>) target_semaphore(%run_scoped3A : memref<!tpu.dma_semaphore, #tpu.memory_space<semaphore_mem>>)
      tpu.wait_dma2 semaphore(%run_scoped3A : memref<!tpu.dma_semaphore, #tpu.memory_space<semaphore_mem>>) src(%arg5 : memref<64xf32, #tpu.memory_space<hbm>>) dst(%arg11 : memref<64xf32, #tpu.memory_space<vmem>>)
      tpu.yield
    }) : () -> ()
    "tpu.region"() ({
      %run_scoped3A = tpu.sem_alloc : memref<!tpu.dma_semaphore, #tpu.memory_space<semaphore_mem>>
      tpu.enqueue_dma source(%arg6 : memref<64xf32, #tpu.memory_space<hbm>>) target(%arg12 : memref<64xf32, #tpu.memory_space<vmem>>) target_semaphore(%run_scoped3A : memref<!tpu.dma_semaphore, #tpu.memory_space<semaphore_mem>>)
      tpu.wait_dma2 semaphore(%run_scoped3A : memref<!tpu.dma_semaphore, #tpu.memory_space<semaphore_mem>>) src(%arg6 : memref<64xf32, #tpu.memory_space<hbm>>) dst(%arg12 : memref<64xf32, #tpu.memory_space<vmem>>)
      tpu.yield
    }) : () -> ()
    %get3A = arith.constant 0 : index
    %get3A_1 = tpu.vector_load %arg11[%get3A] {strides = array<i32>} : memref<64xf32, #tpu.memory_space<vmem>>, vector<16xf32>,
    %get3A_2 = arith.constant 16 : index
    %get3A_3 = tpu.vector_load %arg11[%get3A_2] {strides = array<i32>} : memref<64xf32, #tpu.memory_space<vmem>>, vector<16xf32>,
    %get3A_4 = arith.constant 32 : index
    %get3A_5 = tpu.vector_load %arg11[%get3A_4] {strides = array<i32>} : memref<64xf32, #tpu.memory_space<vmem>>, vector<16xf32>,
    %get3A_6 = arith.constant 48 : index
    %get3A_7 = tpu.vector_load %arg11[%get3A_6] {strides = array<i32>} : memref<64xf32, #tpu.memory_space<vmem>>, vector<16xf32>,
    %get3A_8 = arith.constant 0 : index
    %get3A_9 = tpu.vector_load %arg12[%get3A_8] {strides = array<i32>} : memref<64xf32, #tpu.memory_space<vmem>>, vector<16xf32>,
    %get3A_10 = arith.constant 16 : index
    %get3A_11 = tpu.vector_load %arg12[%get3A_10] {strides = array<i32>} : memref<64xf32, #tpu.memory_space<vmem>>, vector<16xf32>,
    %get3A_12 = arith.constant 32 : index
    %get3A_13 = tpu.vector_load %arg12[%get3A_12] {strides = array<i32>} : memref<64xf32, #tpu.memory_space<vmem>>, vector<16xf32>,
    %get3A_14 = arith.constant 48 : index
    %get3A_15 = tpu.vector_load %arg12[%get3A_14] {strides = array<i32>} : memref<64xf32, #tpu.memory_space<vmem>>, vector<16xf32>,
    %dma_start3A = arith.constant 0 : i32
    %dma_start3A_16 = arith.constant 0 : i32
    %dma_start3A_17 = arith.constant 0 : i32
    %dma_start3A_18 = arith.constant 0 : i32
    %dma_start3A_19 = tpu.memref_slice %arg9[%dma_start3A_16, %dma_start3A_17, %dma_start3A_18] : memref<2x100x64xf32, #tpu.memory_space<vmem>> -> memref<1x100x64xf32, #tpu.memory_space<vmem>>
    %dma_start3A_20 = tpu.memref_squeeze %dma_start3A_19 : memref<1x100x64xf32, #tpu.memory_space<vmem>> -> memref<100x64xf32, #tpu.memory_space<vmem>>
    %dma_start3A_21 = arith.constant 0 : i32
    %dma_start3A_22 = tpu.memref_slice %arg8[%dma_start3A, %dma_start3A_21] : memref<256x100xi32, #tpu.memory_space<vmem>> -> memref<1x100xi32, #tpu.memory_space<vmem>>
    %dma_start3A_23 = tpu.memref_squeeze %dma_start3A_22 : memref<1x100xi32, #tpu.memory_space<vmem>> -> memref<100xi32, #tpu.memory_space<vmem>>
    %dma_start3A_24 = arith.constant 0 : i32
    %dma_start3A_25 = arith.constant 0 : i32
    %dma_start3A_26 = tpu.memref_slice %arg3[%dma_start3A_24, %dma_start3A_25] : memref<100000x64xf32, #tpu.memory_space<hbm>> -> memref<100000x64xf32, #tpu.memory_space<hbm>>
    tpu.enqueue_indirect_dma source(%dma_start3A_26 : memref<100000x64xf32, #tpu.memory_space<hbm>>) target(%dma_start3A_20 : memref<100x64xf32, #tpu.memory_space<vmem>>) offsets(%dma_start3A_23 : memref<100xi32, #tpu.memory_space<vmem>>) semaphore(%arg13 : memref<!tpu.dma_semaphore, #tpu.memory_space<semaphore_mem>>)
    %scan3A = arith.constant 0 : i32
    %scan3A_27 = arith.constant 128 : i32
    %scan3A_28 = arith.addi %scan3A, %scan3A_27 : i32
    %scan3A_29 = arith.constant 1 : i32
    scf.for %scan3A_31 = %scan3A to %scan3A_28 step %scan3A_29  : i32 {
      %mul3A_32 = arith.constant 2 : i32
      %mul3A_33 = arith.muli %mul3A_32, %scan3A_31 : i32
      %add3A_34 = arith.constant 1 : i32
      %add3A_35 = arith.addi %mul3A_33, %add3A_34 : i32
      %dma_start3A_36 = arith.constant 1 : i32
      %dma_start3A_37 = arith.constant 0 : i32
      %dma_start3A_38 = arith.constant 0 : i32
      %dma_start3A_39 = tpu.memref_slice %arg9[%dma_start3A_36, %dma_start3A_37, %dma_start3A_38] : memref<2x100x64xf32, #tpu.memory_space<vmem>> -> memref<1x100x64xf32, #tpu.memory_space<vmem>>
      %dma_start3A_40 = tpu.memref_squeeze %dma_start3A_39 : memref<1x100x64xf32, #tpu.memory_space<vmem>> -> memref<100x64xf32, #tpu.memory_space<vmem>>
      %dma_start3A_41 = arith.constant 0 : i32
      %dma_start3A_42 = tpu.memref_slice %arg8[%add3A_35, %dma_start3A_41] : memref<256x100xi32, #tpu.memory_space<vmem>> -> memref<1x100xi32, #tpu.memory_space<vmem>>
      %dma_start3A_43 = tpu.memref_squeeze %dma_start3A_42 : memref<1x100xi32, #tpu.memory_space<vmem>> -> memref<100xi32, #tpu.memory_space<vmem>>
      %dma_start3A_44 = arith.constant 0 : i32
      %dma_start3A_45 = arith.constant 0 : i32
      %dma_start3A_46 = tpu.memref_slice %arg3[%dma_start3A_44, %dma_start3A_45] : memref<100000x64xf32, #tpu.memory_space<hbm>> -> memref<100000x64xf32, #tpu.memory_space<hbm>>
      tpu.enqueue_indirect_dma source(%dma_start3A_46 : memref<100000x64xf32, #tpu.memory_space<hbm>>) target(%dma_start3A_40 : memref<100x64xf32, #tpu.memory_space<vmem>>) offsets(%dma_start3A_43 : memref<100xi32, #tpu.memory_space<vmem>>) semaphore(%arg14 : memref<!tpu.dma_semaphore, #tpu.memory_space<semaphore_mem>>)
      %dma_wait3A = arith.constant 0 : i32
      %dma_wait3A_47 = arith.constant 0 : i32
      %dma_wait3A_48 = arith.constant 0 : i32
      %dma_wait3A_49 = tpu.memref_slice %arg9[%dma_wait3A, %dma_wait3A_47, %dma_wait3A_48] : memref<2x100x64xf32, #tpu.memory_space<vmem>> -> memref<1x100x64xf32, #tpu.memory_space<vmem>>
      %dma_wait3A_50 = tpu.memref_squeeze %dma_wait3A_49 : memref<1x100x64xf32, #tpu.memory_space<vmem>> -> memref<100x64xf32, #tpu.memory_space<vmem>>
      %dma_wait3A_51 = arith.constant 0 : i32
      %dma_wait3A_52 = tpu.memref_slice %arg8[%mul3A_33, %dma_wait3A_51] : memref<256x100xi32, #tpu.memory_space<vmem>> -> memref<1x100xi32, #tpu.memory_space<vmem>>
      %dma_wait3A_53 = tpu.memref_squeeze %dma_wait3A_52 : memref<1x100xi32, #tpu.memory_space<vmem>> -> memref<100xi32, #tpu.memory_space<vmem>>
      %dma_wait3A_54 = arith.constant 0 : i32
      %dma_wait3A_55 = arith.constant 0 : i32
      %dma_wait3A_56 = tpu.memref_slice %arg3[%dma_wait3A_54, %dma_wait3A_55] : memref<100000x64xf32, #tpu.memory_space<hbm>> -> memref<100000x64xf32, #tpu.memory_space<hbm>>
      tpu.wait_indirect_dma semaphore(%arg13 : memref<!tpu.dma_semaphore, #tpu.memory_space<semaphore_mem>>) src(%dma_wait3A_56 : memref<100000x64xf32, #tpu.memory_space<hbm>>) dst(%dma_wait3A_50 : memref<100x64xf32, #tpu.memory_space<vmem>>)
      %scan3A_57 = arith.constant 0 : i32
      %scan3A_58 = arith.constant 100 : i32
      %scan3A_59 = arith.addi %scan3A_57, %scan3A_58 : i32
      %scan3A_60 = arith.constant 1 : i32
      scf.for %scan3A_87 = %scan3A_57 to %scan3A_59 step %scan3A_60  : i32 {
        %get3A_88 = arith.constant 0 : i32
        %get3A_89 = arith.index_cast %get3A_88 : i32 to index
        %get3A_90 = arith.index_cast %scan3A_87 : i32 to index
        %get3A_91 = arith.constant 0 : index
        %get3A_92 = tpu.vector_load %arg9[%get3A_89, %get3A_90, %get3A_91] {strides = array<i32>} : memref<2x100x64xf32, #tpu.memory_space<vmem>>, vector<16xf32>,
        %get3A_93 = arith.constant 0 : i32
        %get3A_94 = arith.index_cast %get3A_93 : i32 to index
        %get3A_95 = arith.index_cast %scan3A_87 : i32 to index
        %get3A_96 = arith.constant 16 : index
        %get3A_97 = tpu.vector_load %arg9[%get3A_94, %get3A_95, %get3A_96] {strides = array<i32>} : memref<2x100x64xf32, #tpu.memory_space<vmem>>, vector<16xf32>,
        %get3A_98 = arith.constant 0 : i32
        %get3A_99 = arith.index_cast %get3A_98 : i32 to index
        %get3A_100 = arith.index_cast %scan3A_87 : i32 to index
        %get3A_101 = arith.constant 32 : index
        %get3A_102 = tpu.vector_load %arg9[%get3A_99, %get3A_100, %get3A_101] {strides = array<i32>} : memref<2x100x64xf32, #tpu.memory_space<vmem>>, vector<16xf32>,
        %get3A_103 = arith.constant 0 : i32
        %get3A_104 = arith.index_cast %get3A_103 : i32 to index
        %get3A_105 = arith.index_cast %scan3A_87 : i32 to index
        %get3A_106 = arith.constant 48 : index
        %get3A_107 = tpu.vector_load %arg9[%get3A_104, %get3A_105, %get3A_106] {strides = array<i32>} : memref<2x100x64xf32, #tpu.memory_space<vmem>>, vector<16xf32>,
        %add3A_108 = arith.constant 0 : i32
        %add3A_109 = arith.addi %add3A_108, %scan3A_87 : i32
        %get3A_110 = arith.index_cast %add3A_109 : i32 to index
        %get3A_111 = arith.constant 0 : index
        %get3A_112 = tpu.vector_load %arg10[%get3A_110, %get3A_111] {strides = array<i32>} : memref<200x64xf32, #tpu.memory_space<vmem>>, vector<16xf32>,
        %add3A_113 = arith.constant 0 : i32
        %add3A_114 = arith.addi %add3A_113, %scan3A_87 : i32
        %get3A_115 = arith.index_cast %add3A_114 : i32 to index
        %get3A_116 = arith.constant 16 : index
        %get3A_117 = tpu.vector_load %arg10[%get3A_115, %get3A_116] {strides = array<i32>} : memref<200x64xf32, #tpu.memory_space<vmem>>, vector<16xf32>,
        %add3A_118 = arith.constant 0 : i32
        %add3A_119 = arith.addi %add3A_118, %scan3A_87 : i32
        %get3A_120 = arith.index_cast %add3A_119 : i32 to index
        %get3A_121 = arith.constant 32 : index
        %get3A_122 = tpu.vector_load %arg10[%get3A_120, %get3A_121] {strides = array<i32>} : memref<200x64xf32, #tpu.memory_space<vmem>>, vector<16xf32>,
        %add3A_123 = arith.constant 0 : i32
        %add3A_124 = arith.addi %add3A_123, %scan3A_87 : i32
        %get3A_125 = arith.index_cast %add3A_124 : i32 to index
        %get3A_126 = arith.constant 48 : index
        %get3A_127 = tpu.vector_load %arg10[%get3A_125, %get3A_126] {strides = array<i32>} : memref<200x64xf32, #tpu.memory_space<vmem>>, vector<16xf32>,
        %add3A_128 = arith.addf %get3A_92, %get3A_112 : vector<16xf32>
        %add3A_129 = arith.addf %get3A_97, %get3A_117 : vector<16xf32>
        %add3A_130 = arith.addf %get3A_102, %get3A_122 : vector<16xf32>
        %add3A_131 = arith.addf %get3A_107, %get3A_127 : vector<16xf32>
        %add3A_132 = arith.addf %add3A_128, %add3A_129 : vector<16xf32>
        %add3A_133 = arith.addf %add3A_130, %add3A_131 : vector<16xf32>
        %add3A_134 = arith.addf %add3A_132, %add3A_133 : vector<16xf32>
        %mul3A_135 = arith.mulf %add3A_128, %add3A_128 : vector<16xf32>
        %mul3A_136 = arith.mulf %add3A_129, %add3A_129 : vector<16xf32>
        %add3A_137 = arith.addf %mul3A_135, %mul3A_136 : vector<16xf32>
        %mul3A_138 = arith.mulf %add3A_130, %add3A_130 : vector<16xf32>
        %mul3A_139 = arith.mulf %add3A_131, %add3A_131 : vector<16xf32>
        %add3A_140 = arith.addf %mul3A_138, %mul3A_139 : vector<16xf32>
        %add3A_141 = arith.addf %add3A_137, %add3A_140 : vector<16xf32>
        %reduce_sum3A = arith.constant true
        %reduce_sum3A_142 = vector.broadcast %reduce_sum3A : i1 to vector<16xi1>
        %reduce_sum3A_143 = tpu.scan <sum>, %add3A_134 masked %reduce_sum3A_142 : vector<16xf32>, vector<16xi1> -> vector<16xf32>
        %reduce_sum3A_144 = vector.extract %reduce_sum3A_143[15] : f32 from vector<16xf32>
        %broadcast_in_dim3A = vector.broadcast %reduce_sum3A_144 : f32 to vector<16xf32>
        %reduce_sum3A_145 = arith.constant true
        %reduce_sum3A_146 = vector.broadcast %reduce_sum3A_145 : i1 to vector<16xi1>
        %reduce_sum3A_147 = tpu.scan <sum>, %add3A_141 masked %reduce_sum3A_146 : vector<16xf32>, vector<16xi1> -> vector<16xf32>
        %reduce_sum3A_148 = vector.extract %reduce_sum3A_147[15] : f32 from vector<16xf32>
        %broadcast_in_dim3A_149 = vector.broadcast %reduce_sum3A_148 : f32 to vector<16xf32>
        %mul3A_150 = arith.constant 1.562500e-02 : f32
        %mul3A_151 = vector.broadcast %mul3A_150 : f32 to vector<16xf32>
        %mul3A_152 = arith.mulf %broadcast_in_dim3A, %mul3A_151 : vector<16xf32>
        %mul3A_153 = arith.constant 1.562500e-02 : f32
        %mul3A_154 = vector.broadcast %mul3A_153 : f32 to vector<16xf32>
        %mul3A_155 = arith.mulf %broadcast_in_dim3A_149, %mul3A_154 : vector<16xf32>
        %mul3A_156 = arith.mulf %mul3A_152, %mul3A_152 : vector<16xf32>
        %sub3A = arith.subf %mul3A_155, %mul3A_156 : vector<16xf32>
        %add3A_157 = arith.constant 9.99999974E-6 : f32
        %add3A_158 = vector.broadcast %add3A_157 : f32 to vector<16xf32>
        %add3A_159 = arith.addf %sub3A, %add3A_158 : vector<16xf32>
        %bitcast_convert_type3A = tpu.bitcast %add3A_159 : vector<16xf32> -> vector<16xi32>
        %shift_right_arithmetic3A = arith.constant 1 : i32
        %shift_right_arithmetic3A_160 = vector.broadcast %shift_right_arithmetic3A : i32 to vector<16xi32>
        %shift_right_arithmetic3A_161 = arith.shrsi %bitcast_convert_type3A, %shift_right_arithmetic3A_160 : vector<16xi32>
        %sub3A_162 = arith.constant 1597463007 : i32
        %sub3A_163 = vector.broadcast %sub3A_162 : i32 to vector<16xi32>
        %sub3A_164 = arith.subi %sub3A_163, %shift_right_arithmetic3A_161 : vector<16xi32>
        %bitcast_convert_type3A_165 = tpu.bitcast %sub3A_164 : vector<16xi32> -> vector<16xf32>
        %mul3A_166 = arith.constant 5.000000e-01 : f32
        %mul3A_167 = vector.broadcast %mul3A_166 : f32 to vector<16xf32>
        %mul3A_168 = arith.mulf %mul3A_167, %add3A_159 : vector<16xf32>
        %mul3A_169 = arith.mulf %mul3A_168, %bitcast_convert_type3A_165 : vector<16xf32>
        %mul3A_170 = arith.mulf %mul3A_169, %bitcast_convert_type3A_165 : vector<16xf32>
        %sub3A_171 = arith.constant 1.500000e+00 : f32
        %sub3A_172 = vector.broadcast %sub3A_171 : f32 to vector<16xf32>
        %sub3A_173 = arith.subf %sub3A_172, %mul3A_170 : vector<16xf32>
        %mul3A_174 = arith.mulf %bitcast_convert_type3A_165, %sub3A_173 : vector<16xf32>
        %mul3A_175 = arith.constant 5.000000e-01 : f32
        %mul3A_176 = vector.broadcast %mul3A_175 : f32 to vector<16xf32>
        %mul3A_177 = arith.mulf %mul3A_176, %add3A_159 : vector<16xf32>
        %mul3A_178 = arith.mulf %mul3A_177, %mul3A_174 : vector<16xf32>
        %mul3A_179 = arith.mulf %mul3A_178, %mul3A_174 : vector<16xf32>
        %sub3A_180 = arith.constant 1.500000e+00 : f32
        %sub3A_181 = vector.broadcast %sub3A_180 : f32 to vector<16xf32>
        %sub3A_182 = arith.subf %sub3A_181, %mul3A_179 : vector<16xf32>
        %mul3A_183 = arith.mulf %mul3A_174, %sub3A_182 : vector<16xf32>
        %mul3A_184 = arith.constant 5.000000e-01 : f32
        %mul3A_185 = vector.broadcast %mul3A_184 : f32 to vector<16xf32>
        %mul3A_186 = arith.mulf %mul3A_185, %add3A_159 : vector<16xf32>
        %mul3A_187 = arith.mulf %mul3A_186, %mul3A_183 : vector<16xf32>
        %mul3A_188 = arith.mulf %mul3A_187, %mul3A_183 : vector<16xf32>
        %sub3A_189 = arith.constant 1.500000e+00 : f32
        %sub3A_190 = vector.broadcast %sub3A_189 : f32 to vector<16xf32>
        %sub3A_191 = arith.subf %sub3A_190, %mul3A_188 : vector<16xf32>
        %mul3A_192 = arith.mulf %mul3A_183, %sub3A_191 : vector<16xf32>
        %sub3A_193 = arith.subf %add3A_128, %mul3A_152 : vector<16xf32>
        %mul3A_194 = arith.mulf %sub3A_193, %mul3A_192 : vector<16xf32>
        %mul3A_195 = arith.mulf %mul3A_194, %get3A_1 : vector<16xf32>
        %add3A_196 = arith.addf %mul3A_195, %get3A_9 : vector<16xf32>
        %swap3A = arith.constant 0 : i32
        %swap3A_197 = arith.index_cast %swap3A : i32 to index
        %swap3A_198 = arith.index_cast %scan3A_87 : i32 to index
        %swap3A_199 = arith.constant 0 : index
        %swap3A_200 = tpu.vector_load %arg9[%swap3A_197, %swap3A_198, %swap3A_199] {strides = array<i32>} : memref<2x100x64xf32, #tpu.memory_space<vmem>>, vector<16xf32>,
        tpu.vector_store %arg9[%swap3A_197, %swap3A_198, %swap3A_199], %add3A_196 {strides = array<i32>} : memref<2x100x64xf32, #tpu.memory_space<vmem>>, vector<16xf32>,
        %sub3A_201 = arith.subf %add3A_129, %mul3A_152 : vector<16xf32>
        %mul3A_202 = arith.mulf %sub3A_201, %mul3A_192 : vector<16xf32>
        %mul3A_203 = arith.mulf %mul3A_202, %get3A_3 : vector<16xf32>
        %add3A_204 = arith.addf %mul3A_203, %get3A_11 : vector<16xf32>
        %swap3A_205 = arith.constant 0 : i32
        %swap3A_206 = arith.index_cast %swap3A_205 : i32 to index
        %swap3A_207 = arith.index_cast %scan3A_87 : i32 to index
        %swap3A_208 = arith.constant 16 : index
        %swap3A_209 = tpu.vector_load %arg9[%swap3A_206, %swap3A_207, %swap3A_208] {strides = array<i32>} : memref<2x100x64xf32, #tpu.memory_space<vmem>>, vector<16xf32>,
        tpu.vector_store %arg9[%swap3A_206, %swap3A_207, %swap3A_208], %add3A_204 {strides = array<i32>} : memref<2x100x64xf32, #tpu.memory_space<vmem>>, vector<16xf32>,
        %sub3A_210 = arith.subf %add3A_130, %mul3A_152 : vector<16xf32>
        %mul3A_211 = arith.mulf %sub3A_210, %mul3A_192 : vector<16xf32>
        %mul3A_212 = arith.mulf %mul3A_211, %get3A_5 : vector<16xf32>
        %add3A_213 = arith.addf %mul3A_212, %get3A_13 : vector<16xf32>
        %swap3A_214 = arith.constant 0 : i32
        %swap3A_215 = arith.index_cast %swap3A_214 : i32 to index
        %swap3A_216 = arith.index_cast %scan3A_87 : i32 to index
        %swap3A_217 = arith.constant 32 : index
        %swap3A_218 = tpu.vector_load %arg9[%swap3A_215, %swap3A_216, %swap3A_217] {strides = array<i32>} : memref<2x100x64xf32, #tpu.memory_space<vmem>>, vector<16xf32>,
        tpu.vector_store %arg9[%swap3A_215, %swap3A_216, %swap3A_217], %add3A_213 {strides = array<i32>} : memref<2x100x64xf32, #tpu.memory_space<vmem>>, vector<16xf32>,
        %sub3A_219 = arith.subf %add3A_131, %mul3A_152 : vector<16xf32>
        %mul3A_220 = arith.mulf %sub3A_219, %mul3A_192 : vector<16xf32>
        %mul3A_221 = arith.mulf %mul3A_220, %get3A_7 : vector<16xf32>
        %add3A_222 = arith.addf %mul3A_221, %get3A_15 : vector<16xf32>
        %swap3A_223 = arith.constant 0 : i32
        %swap3A_224 = arith.index_cast %swap3A_223 : i32 to index
        %swap3A_225 = arith.index_cast %scan3A_87 : i32 to index
        %swap3A_226 = arith.constant 48 : index
        %swap3A_227 = tpu.vector_load %arg9[%swap3A_224, %swap3A_225, %swap3A_226] {strides = array<i32>} : memref<2x100x64xf32, #tpu.memory_space<vmem>>, vector<16xf32>,
        tpu.vector_store %arg9[%swap3A_224, %swap3A_225, %swap3A_226], %add3A_222 {strides = array<i32>} : memref<2x100x64xf32, #tpu.memory_space<vmem>>, vector<16xf32>,
      }
      %scan3A_61 = arith.constant 100 : i32
      %run_scoped3A = arith.constant 0 : i32
      "tpu.region"() ({
        %run_scoped3A_87 = tpu.sem_alloc : memref<!tpu.dma_semaphore, #tpu.memory_space<semaphore_mem>>
        %dma_start3A_88 = arith.constant 0 : i32
        %dma_start3A_89 = arith.constant 0 : i32
        %dma_start3A_90 = tpu.memref_slice %arg9[%run_scoped3A, %dma_start3A_88, %dma_start3A_89] : memref<2x100x64xf32, #tpu.memory_space<vmem>> -> memref<1x100x64xf32, #tpu.memory_space<vmem>>
        %dma_start3A_91 = tpu.memref_squeeze %dma_start3A_90 : memref<1x100x64xf32, #tpu.memory_space<vmem>> -> memref<100x64xf32, #tpu.memory_space<vmem>>
        %dma_start3A_92 = arith.constant 0 : i32
        %dma_start3A_93 = arith.constant 0 : i32
        %dma_start3A_94 = tpu.memref_slice %arg7[%add3A, %mul3A_33, %dma_start3A_92, %dma_start3A_93] : memref<32x256x100x64xf32, #tpu.memory_space<hbm>> -> memref<1x1x100x64xf32, #tpu.memory_space<hbm>>
        %dma_start3A_95 = tpu.memref_squeeze %dma_start3A_94 : memref<1x1x100x64xf32, #tpu.memory_space<hbm>> -> memref<100x64xf32, #tpu.memory_space<hbm>>
        %dma_start3A_96 = arith.constant 0 : i32
        %dma_start3A_97 = arith.constant 0 : i32
        %dma_start3A_98 = tpu.memref_slice %arg7[%add3A, %mul3A_33, %dma_start3A_96, %dma_start3A_97] : memref<32x256x100x64xf32, #tpu.memory_space<hbm>> -> memref<1x1x100x64xf32, #tpu.memory_space<hbm>>
        %dma_start3A_99 = tpu.memref_squeeze %dma_start3A_98 : memref<1x1x100x64xf32, #tpu.memory_space<hbm>> -> memref<100x64xf32, #tpu.memory_space<hbm>>
        %dma_start3A_100 = arith.constant 0 : i32
        %dma_start3A_101 = arith.constant 0 : i32
        %dma_start3A_102 = tpu.memref_slice %arg9[%run_scoped3A, %dma_start3A_100, %dma_start3A_101] : memref<2x100x64xf32, #tpu.memory_space<vmem>> -> memref<1x100x64xf32, #tpu.memory_space<vmem>>
        %dma_start3A_103 = tpu.memref_squeeze %dma_start3A_102 : memref<1x100x64xf32, #tpu.memory_space<vmem>> -> memref<100x64xf32, #tpu.memory_space<vmem>>
        tpu.enqueue_dma source(%dma_start3A_103 : memref<100x64xf32, #tpu.memory_space<vmem>>) target(%dma_start3A_99 : memref<100x64xf32, #tpu.memory_space<hbm>>) target_semaphore(%run_scoped3A_87 : memref<!tpu.dma_semaphore, #tpu.memory_space<semaphore_mem>>)
        %dma_wait3A_104 = arith.constant 0 : i32
        %dma_wait3A_105 = arith.constant 0 : i32
        %dma_wait3A_106 = tpu.memref_slice %arg9[%run_scoped3A, %dma_wait3A_104, %dma_wait3A_105] : memref<2x100x64xf32, #tpu.memory_space<vmem>> -> memref<1x100x64xf32, #tpu.memory_space<vmem>>
        %dma_wait3A_107 = tpu.memref_squeeze %dma_wait3A_106 : memref<1x100x64xf32, #tpu.memory_space<vmem>> -> memref<100x64xf32, #tpu.memory_space<vmem>>
        %dma_wait3A_108 = arith.constant 0 : i32
        %dma_wait3A_109 = arith.constant 0 : i32
        %dma_wait3A_110 = tpu.memref_slice %arg7[%add3A, %mul3A_33, %dma_wait3A_108, %dma_wait3A_109] : memref<32x256x100x64xf32, #tpu.memory_space<hbm>> -> memref<1x1x100x64xf32, #tpu.memory_space<hbm>>
        %dma_wait3A_111 = tpu.memref_squeeze %dma_wait3A_110 : memref<1x1x100x64xf32, #tpu.memory_space<hbm>> -> memref<100x64xf32, #tpu.memory_space<hbm>>
        %dma_wait3A_112 = arith.constant 0 : i32
        %dma_wait3A_113 = arith.constant 0 : i32
        %dma_wait3A_114 = tpu.memref_slice %arg7[%add3A, %mul3A_33, %dma_wait3A_112, %dma_wait3A_113] : memref<32x256x100x64xf32, #tpu.memory_space<hbm>> -> memref<1x1x100x64xf32, #tpu.memory_space<hbm>>
        %dma_wait3A_115 = tpu.memref_squeeze %dma_wait3A_114 : memref<1x1x100x64xf32, #tpu.memory_space<hbm>> -> memref<100x64xf32, #tpu.memory_space<hbm>>
        %dma_wait3A_116 = arith.constant 0 : i32
        %dma_wait3A_117 = arith.constant 0 : i32
        %dma_wait3A_118 = tpu.memref_slice %arg9[%run_scoped3A, %dma_wait3A_116, %dma_wait3A_117] : memref<2x100x64xf32, #tpu.memory_space<vmem>> -> memref<1x100x64xf32, #tpu.memory_space<vmem>>
        %dma_wait3A_119 = tpu.memref_squeeze %dma_wait3A_118 : memref<1x100x64xf32, #tpu.memory_space<vmem>> -> memref<100x64xf32, #tpu.memory_space<vmem>>
        tpu.wait_dma2 semaphore(%run_scoped3A_87 : memref<!tpu.dma_semaphore, #tpu.memory_space<semaphore_mem>>) src(%dma_wait3A_119 : memref<100x64xf32, #tpu.memory_space<vmem>>) dst(%dma_wait3A_115 : memref<100x64xf32, #tpu.memory_space<hbm>>)
        tpu.yield
      }) : () -> ()
      %add3A_62 = arith.constant 2 : i32
      %add3A_63 = arith.addi %mul3A_33, %add3A_62 : i32
      %lt3A = arith.constant 256 : i32
      %lt3A_64 = arith.cmpi slt, %add3A_63, %lt3A : i32
      %convert_element_type3A = arith.extui %lt3A_64 : i1 to i32
      %cond3A = arith.constant 0 : i32
      %cond3A_65 = arith.cmpi ne, %convert_element_type3A, %cond3A : i32
      scf.if %cond3A_65 {
        %add3A_87 = arith.constant 2 : i32
        %add3A_88 = arith.addi %mul3A_33, %add3A_87 : i32
        %dma_start3A_89 = arith.constant 0 : i32
        %dma_start3A_90 = arith.constant 0 : i32
        %dma_start3A_91 = arith.constant 0 : i32
        %dma_start3A_92 = tpu.memref_slice %arg9[%dma_start3A_89, %dma_start3A_90, %dma_start3A_91] : memref<2x100x64xf32, #tpu.memory_space<vmem>> -> memref<1x100x64xf32, #tpu.memory_space<vmem>>
        %dma_start3A_93 = tpu.memref_squeeze %dma_start3A_92 : memref<1x100x64xf32, #tpu.memory_space<vmem>> -> memref<100x64xf32, #tpu.memory_space<vmem>>
        %dma_start3A_94 = arith.constant 0 : i32
        %dma_start3A_95 = tpu.memref_slice %arg8[%add3A_88, %dma_start3A_94] : memref<256x100xi32, #tpu.memory_space<vmem>> -> memref<1x100xi32, #tpu.memory_space<vmem>>
        %dma_start3A_96 = tpu.memref_squeeze %dma_start3A_95 : memref<1x100xi32, #tpu.memory_space<vmem>> -> memref<100xi32, #tpu.memory_space<vmem>>
        %dma_start3A_97 = arith.constant 0 : i32
        %dma_start3A_98 = arith.constant 0 : i32
        %dma_start3A_99 = tpu.memref_slice %arg3[%dma_start3A_97, %dma_start3A_98] : memref<100000x64xf32, #tpu.memory_space<hbm>> -> memref<100000x64xf32, #tpu.memory_space<hbm>>
        tpu.enqueue_indirect_dma source(%dma_start3A_99 : memref<100000x64xf32, #tpu.memory_space<hbm>>) target(%dma_start3A_93 : memref<100x64xf32, #tpu.memory_space<vmem>>) offsets(%dma_start3A_96 : memref<100xi32, #tpu.memory_space<vmem>>) semaphore(%arg13 : memref<!tpu.dma_semaphore, #tpu.memory_space<semaphore_mem>>)
      } else {
      }
      %add3A_66 = arith.constant 1 : i32
      %add3A_67 = arith.addi %mul3A_33, %add3A_66 : i32
      %dma_wait3A_68 = arith.constant 1 : i32
      %dma_wait3A_69 = arith.constant 0 : i32
      %dma_wait3A_70 = arith.constant 0 : i32
      %dma_wait3A_71 = tpu.memref_slice %arg9[%dma_wait3A_68, %dma_wait3A_69, %dma_wait3A_70] : memref<2x100x64xf32, #tpu.memory_space<vmem>> -> memref<1x100x64xf32, #tpu.memory_space<vmem>>
      %dma_wait3A_72 = tpu.memref_squeeze %dma_wait3A_71 : memref<1x100x64xf32, #tpu.memory_space<vmem>> -> memref<100x64xf32, #tpu.memory_space<vmem>>
      %dma_wait3A_73 = arith.constant 0 : i32
      %dma_wait3A_74 = tpu.memref_slice %arg8[%add3A_67, %dma_wait3A_73] : memref<256x100xi32, #tpu.memory_space<vmem>> -> memref<1x100xi32, #tpu.memory_space<vmem>>
      %dma_wait3A_75 = tpu.memref_squeeze %dma_wait3A_74 : memref<1x100xi32, #tpu.memory_space<vmem>> -> memref<100xi32, #tpu.memory_space<vmem>>
      %dma_wait3A_76 = arith.constant 0 : i32
      %dma_wait3A_77 = arith.constant 0 : i32
      %dma_wait3A_78 = tpu.memref_slice %arg3[%dma_wait3A_76, %dma_wait3A_77] : memref<100000x64xf32, #tpu.memory_space<hbm>> -> memref<100000x64xf32, #tpu.memory_space<hbm>>
      tpu.wait_indirect_dma semaphore(%arg14 : memref<!tpu.dma_semaphore, #tpu.memory_space<semaphore_mem>>) src(%dma_wait3A_78 : memref<100000x64xf32, #tpu.memory_space<hbm>>) dst(%dma_wait3A_72 : memref<100x64xf32, #tpu.memory_space<vmem>>)
      %scan3A_79 = arith.constant 0 : i32
      %scan3A_80 = arith.constant 100 : i32
      %scan3A_81 = arith.addi %scan3A_79, %scan3A_80 : i32
      %scan3A_82 = arith.constant 1 : i32
      scf.for %scan3A_87 = %scan3A_79 to %scan3A_81 step %scan3A_82  : i32 {
        %get3A_88 = arith.constant 1 : i32
        %get3A_89 = arith.index_cast %get3A_88 : i32 to index
        %get3A_90 = arith.index_cast %scan3A_87 : i32 to index
        %get3A_91 = arith.constant 0 : index
        %get3A_92 = tpu.vector_load %arg9[%get3A_89, %get3A_90, %get3A_91] {strides = array<i32>} : memref<2x100x64xf32, #tpu.memory_space<vmem>>, vector<16xf32>,
        %get3A_93 = arith.constant 1 : i32
        %get3A_94 = arith.index_cast %get3A_93 : i32 to index
        %get3A_95 = arith.index_cast %scan3A_87 : i32 to index
        %get3A_96 = arith.constant 16 : index
        %get3A_97 = tpu.vector_load %arg9[%get3A_94, %get3A_95, %get3A_96] {strides = array<i32>} : memref<2x100x64xf32, #tpu.memory_space<vmem>>, vector<16xf32>,
        %get3A_98 = arith.constant 1 : i32
        %get3A_99 = arith.index_cast %get3A_98 : i32 to index
        %get3A_100 = arith.index_cast %scan3A_87 : i32 to index
        %get3A_101 = arith.constant 32 : index
        %get3A_102 = tpu.vector_load %arg9[%get3A_99, %get3A_100, %get3A_101] {strides = array<i32>} : memref<2x100x64xf32, #tpu.memory_space<vmem>>, vector<16xf32>,
        %get3A_103 = arith.constant 1 : i32
        %get3A_104 = arith.index_cast %get3A_103 : i32 to index
        %get3A_105 = arith.index_cast %scan3A_87 : i32 to index
        %get3A_106 = arith.constant 48 : index
        %get3A_107 = tpu.vector_load %arg9[%get3A_104, %get3A_105, %get3A_106] {strides = array<i32>} : memref<2x100x64xf32, #tpu.memory_space<vmem>>, vector<16xf32>,
        %add3A_108 = arith.constant 100 : i32
        %add3A_109 = arith.addi %add3A_108, %scan3A_87 : i32
        %get3A_110 = arith.index_cast %add3A_109 : i32 to index
        %get3A_111 = arith.constant 0 : index
        %get3A_112 = tpu.vector_load %arg10[%get3A_110, %get3A_111] {strides = array<i32>} : memref<200x64xf32, #tpu.memory_space<vmem>>, vector<16xf32>,
        %add3A_113 = arith.constant 100 : i32
        %add3A_114 = arith.addi %add3A_113, %scan3A_87 : i32
        %get3A_115 = arith.index_cast %add3A_114 : i32 to index
        %get3A_116 = arith.constant 16 : index
        %get3A_117 = tpu.vector_load %arg10[%get3A_115, %get3A_116] {strides = array<i32>} : memref<200x64xf32, #tpu.memory_space<vmem>>, vector<16xf32>,
        %add3A_118 = arith.constant 100 : i32
        %add3A_119 = arith.addi %add3A_118, %scan3A_87 : i32
        %get3A_120 = arith.index_cast %add3A_119 : i32 to index
        %get3A_121 = arith.constant 32 : index
        %get3A_122 = tpu.vector_load %arg10[%get3A_120, %get3A_121] {strides = array<i32>} : memref<200x64xf32, #tpu.memory_space<vmem>>, vector<16xf32>,
        %add3A_123 = arith.constant 100 : i32
        %add3A_124 = arith.addi %add3A_123, %scan3A_87 : i32
        %get3A_125 = arith.index_cast %add3A_124 : i32 to index
        %get3A_126 = arith.constant 48 : index
        %get3A_127 = tpu.vector_load %arg10[%get3A_125, %get3A_126] {strides = array<i32>} : memref<200x64xf32, #tpu.memory_space<vmem>>, vector<16xf32>,
        %add3A_128 = arith.addf %get3A_92, %get3A_112 : vector<16xf32>
        %add3A_129 = arith.addf %get3A_97, %get3A_117 : vector<16xf32>
        %add3A_130 = arith.addf %get3A_102, %get3A_122 : vector<16xf32>
        %add3A_131 = arith.addf %get3A_107, %get3A_127 : vector<16xf32>
        %add3A_132 = arith.addf %add3A_128, %add3A_129 : vector<16xf32>
        %add3A_133 = arith.addf %add3A_130, %add3A_131 : vector<16xf32>
        %add3A_134 = arith.addf %add3A_132, %add3A_133 : vector<16xf32>
        %mul3A_135 = arith.mulf %add3A_128, %add3A_128 : vector<16xf32>
        %mul3A_136 = arith.mulf %add3A_129, %add3A_129 : vector<16xf32>
        %add3A_137 = arith.addf %mul3A_135, %mul3A_136 : vector<16xf32>
        %mul3A_138 = arith.mulf %add3A_130, %add3A_130 : vector<16xf32>
        %mul3A_139 = arith.mulf %add3A_131, %add3A_131 : vector<16xf32>
        %add3A_140 = arith.addf %mul3A_138, %mul3A_139 : vector<16xf32>
        %add3A_141 = arith.addf %add3A_137, %add3A_140 : vector<16xf32>
        %reduce_sum3A = arith.constant true
        %reduce_sum3A_142 = vector.broadcast %reduce_sum3A : i1 to vector<16xi1>
        %reduce_sum3A_143 = tpu.scan <sum>, %add3A_134 masked %reduce_sum3A_142 : vector<16xf32>, vector<16xi1> -> vector<16xf32>
        %reduce_sum3A_144 = vector.extract %reduce_sum3A_143[15] : f32 from vector<16xf32>
        %broadcast_in_dim3A = vector.broadcast %reduce_sum3A_144 : f32 to vector<16xf32>
        %reduce_sum3A_145 = arith.constant true
        %reduce_sum3A_146 = vector.broadcast %reduce_sum3A_145 : i1 to vector<16xi1>
        %reduce_sum3A_147 = tpu.scan <sum>, %add3A_141 masked %reduce_sum3A_146 : vector<16xf32>, vector<16xi1> -> vector<16xf32>
        %reduce_sum3A_148 = vector.extract %reduce_sum3A_147[15] : f32 from vector<16xf32>
        %broadcast_in_dim3A_149 = vector.broadcast %reduce_sum3A_148 : f32 to vector<16xf32>
        %mul3A_150 = arith.constant 1.562500e-02 : f32
        %mul3A_151 = vector.broadcast %mul3A_150 : f32 to vector<16xf32>
        %mul3A_152 = arith.mulf %broadcast_in_dim3A, %mul3A_151 : vector<16xf32>
        %mul3A_153 = arith.constant 1.562500e-02 : f32
        %mul3A_154 = vector.broadcast %mul3A_153 : f32 to vector<16xf32>
        %mul3A_155 = arith.mulf %broadcast_in_dim3A_149, %mul3A_154 : vector<16xf32>
        %mul3A_156 = arith.mulf %mul3A_152, %mul3A_152 : vector<16xf32>
        %sub3A = arith.subf %mul3A_155, %mul3A_156 : vector<16xf32>
        %add3A_157 = arith.constant 9.99999974E-6 : f32
        %add3A_158 = vector.broadcast %add3A_157 : f32 to vector<16xf32>
        %add3A_159 = arith.addf %sub3A, %add3A_158 : vector<16xf32>
        %bitcast_convert_type3A = tpu.bitcast %add3A_159 : vector<16xf32> -> vector<16xi32>
        %shift_right_arithmetic3A = arith.constant 1 : i32
        %shift_right_arithmetic3A_160 = vector.broadcast %shift_right_arithmetic3A : i32 to vector<16xi32>
        %shift_right_arithmetic3A_161 = arith.shrsi %bitcast_convert_type3A, %shift_right_arithmetic3A_160 : vector<16xi32>
        %sub3A_162 = arith.constant 1597463007 : i32
        %sub3A_163 = vector.broadcast %sub3A_162 : i32 to vector<16xi32>
        %sub3A_164 = arith.subi %sub3A_163, %shift_right_arithmetic3A_161 : vector<16xi32>
        %bitcast_convert_type3A_165 = tpu.bitcast %sub3A_164 : vector<16xi32> -> vector<16xf32>
        %mul3A_166 = arith.constant 5.000000e-01 : f32
        %mul3A_167 = vector.broadcast %mul3A_166 : f32 to vector<16xf32>
        %mul3A_168 = arith.mulf %mul3A_167, %add3A_159 : vector<16xf32>
        %mul3A_169 = arith.mulf %mul3A_168, %bitcast_convert_type3A_165 : vector<16xf32>
        %mul3A_170 = arith.mulf %mul3A_169, %bitcast_convert_type3A_165 : vector<16xf32>
        %sub3A_171 = arith.constant 1.500000e+00 : f32
        %sub3A_172 = vector.broadcast %sub3A_171 : f32 to vector<16xf32>
        %sub3A_173 = arith.subf %sub3A_172, %mul3A_170 : vector<16xf32>
        %mul3A_174 = arith.mulf %bitcast_convert_type3A_165, %sub3A_173 : vector<16xf32>
        %mul3A_175 = arith.constant 5.000000e-01 : f32
        %mul3A_176 = vector.broadcast %mul3A_175 : f32 to vector<16xf32>
        %mul3A_177 = arith.mulf %mul3A_176, %add3A_159 : vector<16xf32>
        %mul3A_178 = arith.mulf %mul3A_177, %mul3A_174 : vector<16xf32>
        %mul3A_179 = arith.mulf %mul3A_178, %mul3A_174 : vector<16xf32>
        %sub3A_180 = arith.constant 1.500000e+00 : f32
        %sub3A_181 = vector.broadcast %sub3A_180 : f32 to vector<16xf32>
        %sub3A_182 = arith.subf %sub3A_181, %mul3A_179 : vector<16xf32>
        %mul3A_183 = arith.mulf %mul3A_174, %sub3A_182 : vector<16xf32>
        %mul3A_184 = arith.constant 5.000000e-01 : f32
        %mul3A_185 = vector.broadcast %mul3A_184 : f32 to vector<16xf32>
        %mul3A_186 = arith.mulf %mul3A_185, %add3A_159 : vector<16xf32>
        %mul3A_187 = arith.mulf %mul3A_186, %mul3A_183 : vector<16xf32>
        %mul3A_188 = arith.mulf %mul3A_187, %mul3A_183 : vector<16xf32>
        %sub3A_189 = arith.constant 1.500000e+00 : f32
        %sub3A_190 = vector.broadcast %sub3A_189 : f32 to vector<16xf32>
        %sub3A_191 = arith.subf %sub3A_190, %mul3A_188 : vector<16xf32>
        %mul3A_192 = arith.mulf %mul3A_183, %sub3A_191 : vector<16xf32>
        %sub3A_193 = arith.subf %add3A_128, %mul3A_152 : vector<16xf32>
        %mul3A_194 = arith.mulf %sub3A_193, %mul3A_192 : vector<16xf32>
        %mul3A_195 = arith.mulf %mul3A_194, %get3A_1 : vector<16xf32>
        %add3A_196 = arith.addf %mul3A_195, %get3A_9 : vector<16xf32>
        %swap3A = arith.constant 1 : i32
        %swap3A_197 = arith.index_cast %swap3A : i32 to index
        %swap3A_198 = arith.index_cast %scan3A_87 : i32 to index
        %swap3A_199 = arith.constant 0 : index
        %swap3A_200 = tpu.vector_load %arg9[%swap3A_197, %swap3A_198, %swap3A_199] {strides = array<i32>} : memref<2x100x64xf32, #tpu.memory_space<vmem>>, vector<16xf32>,
        tpu.vector_store %arg9[%swap3A_197, %swap3A_198, %swap3A_199], %add3A_196 {strides = array<i32>} : memref<2x100x64xf32, #tpu.memory_space<vmem>>, vector<16xf32>,
        %sub3A_201 = arith.subf %add3A_129, %mul3A_152 : vector<16xf32>
        %mul3A_202 = arith.mulf %sub3A_201, %mul3A_192 : vector<16xf32>
        %mul3A_203 = arith.mulf %mul3A_202, %get3A_3 : vector<16xf32>
        %add3A_204 = arith.addf %mul3A_203, %get3A_11 : vector<16xf32>
        %swap3A_205 = arith.constant 1 : i32
        %swap3A_206 = arith.index_cast %swap3A_205 : i32 to index
        %swap3A_207 = arith.index_cast %scan3A_87 : i32 to index
        %swap3A_208 = arith.constant 16 : index
        %swap3A_209 = tpu.vector_load %arg9[%swap3A_206, %swap3A_207, %swap3A_208] {strides = array<i32>} : memref<2x100x64xf32, #tpu.memory_space<vmem>>, vector<16xf32>,
        tpu.vector_store %arg9[%swap3A_206, %swap3A_207, %swap3A_208], %add3A_204 {strides = array<i32>} : memref<2x100x64xf32, #tpu.memory_space<vmem>>, vector<16xf32>,
        %sub3A_210 = arith.subf %add3A_130, %mul3A_152 : vector<16xf32>
        %mul3A_211 = arith.mulf %sub3A_210, %mul3A_192 : vector<16xf32>
        %mul3A_212 = arith.mulf %mul3A_211, %get3A_5 : vector<16xf32>
        %add3A_213 = arith.addf %mul3A_212, %get3A_13 : vector<16xf32>
        %swap3A_214 = arith.constant 1 : i32
        %swap3A_215 = arith.index_cast %swap3A_214 : i32 to index
        %swap3A_216 = arith.index_cast %scan3A_87 : i32 to index
        %swap3A_217 = arith.constant 32 : index
        %swap3A_218 = tpu.vector_load %arg9[%swap3A_215, %swap3A_216, %swap3A_217] {strides = array<i32>} : memref<2x100x64xf32, #tpu.memory_space<vmem>>, vector<16xf32>,
        tpu.vector_store %arg9[%swap3A_215, %swap3A_216, %swap3A_217], %add3A_213 {strides = array<i32>} : memref<2x100x64xf32, #tpu.memory_space<vmem>>, vector<16xf32>,
        %sub3A_219 = arith.subf %add3A_131, %mul3A_152 : vector<16xf32>
        %mul3A_220 = arith.mulf %sub3A_219, %mul3A_192 : vector<16xf32>
        %mul3A_221 = arith.mulf %mul3A_220, %get3A_7 : vector<16xf32>
        %add3A_222 = arith.addf %mul3A_221, %get3A_15 : vector<16xf32>
        %swap3A_223 = arith.constant 1 : i32
        %swap3A_224 = arith.index_cast %swap3A_223 : i32 to index
        %swap3A_225 = arith.index_cast %scan3A_87 : i32 to index
        %swap3A_226 = arith.constant 48 : index
        %swap3A_227 = tpu.vector_load %arg9[%swap3A_224, %swap3A_225, %swap3A_226] {strides = array<i32>} : memref<2x100x64xf32, #tpu.memory_space<vmem>>, vector<16xf32>,
        tpu.vector_store %arg9[%swap3A_224, %swap3A_225, %swap3A_226], %add3A_222 {strides = array<i32>} : memref<2x100x64xf32, #tpu.memory_space<vmem>>, vector<16xf32>,
      }
      %scan3A_83 = arith.constant 100 : i32
      %add3A_84 = arith.constant 1 : i32
      %add3A_85 = arith.addi %mul3A_33, %add3A_84 : i32
      %run_scoped3A_86 = arith.constant 1 : i32
      "tpu.region"() ({
        %run_scoped3A_87 = tpu.sem_alloc : memref<!tpu.dma_semaphore, #tpu.memory_space<semaphore_mem>>
        %dma_start3A_88 = arith.constant 0 : i32
        %dma_start3A_89 = arith.constant 0 : i32
        %dma_start3A_90 = tpu.memref_slice %arg9[%run_scoped3A_86, %dma_start3A_88, %dma_start3A_89] : memref<2x100x64xf32, #tpu.memory_space<vmem>> -> memref<1x100x64xf32, #tpu.memory_space<vmem>>
        %dma_start3A_91 = tpu.memref_squeeze %dma_start3A_90 : memref<1x100x64xf32, #tpu.memory_space<vmem>> -> memref<100x64xf32, #tpu.memory_space<vmem>>
        %dma_start3A_92 = arith.constant 0 : i32
        %dma_start3A_93 = arith.constant 0 : i32
        %dma_start3A_94 = tpu.memref_slice %arg7[%add3A, %add3A_85, %dma_start3A_92, %dma_start3A_93] : memref<32x256x100x64xf32, #tpu.memory_space<hbm>> -> memref<1x1x100x64xf32, #tpu.memory_space<hbm>>
        %dma_start3A_95 = tpu.memref_squeeze %dma_start3A_94 : memref<1x1x100x64xf32, #tpu.memory_space<hbm>> -> memref<100x64xf32, #tpu.memory_space<hbm>>
        %dma_start3A_96 = arith.constant 0 : i32
        %dma_start3A_97 = arith.constant 0 : i32
        %dma_start3A_98 = tpu.memref_slice %arg7[%add3A, %add3A_85, %dma_start3A_96, %dma_start3A_97] : memref<32x256x100x64xf32, #tpu.memory_space<hbm>> -> memref<1x1x100x64xf32, #tpu.memory_space<hbm>>
        %dma_start3A_99 = tpu.memref_squeeze %dma_start3A_98 : memref<1x1x100x64xf32, #tpu.memory_space<hbm>> -> memref<100x64xf32, #tpu.memory_space<hbm>>
        %dma_start3A_100 = arith.constant 0 : i32
        %dma_start3A_101 = arith.constant 0 : i32
        %dma_start3A_102 = tpu.memref_slice %arg9[%run_scoped3A_86, %dma_start3A_100, %dma_start3A_101] : memref<2x100x64xf32, #tpu.memory_space<vmem>> -> memref<1x100x64xf32, #tpu.memory_space<vmem>>
        %dma_start3A_103 = tpu.memref_squeeze %dma_start3A_102 : memref<1x100x64xf32, #tpu.memory_space<vmem>> -> memref<100x64xf32, #tpu.memory_space<vmem>>
        tpu.enqueue_dma source(%dma_start3A_103 : memref<100x64xf32, #tpu.memory_space<vmem>>) target(%dma_start3A_99 : memref<100x64xf32, #tpu.memory_space<hbm>>) target_semaphore(%run_scoped3A_87 : memref<!tpu.dma_semaphore, #tpu.memory_space<semaphore_mem>>)
        %dma_wait3A_104 = arith.constant 0 : i32
        %dma_wait3A_105 = arith.constant 0 : i32
        %dma_wait3A_106 = tpu.memref_slice %arg9[%run_scoped3A_86, %dma_wait3A_104, %dma_wait3A_105] : memref<2x100x64xf32, #tpu.memory_space<vmem>> -> memref<1x100x64xf32, #tpu.memory_space<vmem>>
        %dma_wait3A_107 = tpu.memref_squeeze %dma_wait3A_106 : memref<1x100x64xf32, #tpu.memory_space<vmem>> -> memref<100x64xf32, #tpu.memory_space<vmem>>
        %dma_wait3A_108 = arith.constant 0 : i32
        %dma_wait3A_109 = arith.constant 0 : i32
        %dma_wait3A_110 = tpu.memref_slice %arg7[%add3A, %add3A_85, %dma_wait3A_108, %dma_wait3A_109] : memref<32x256x100x64xf32, #tpu.memory_space<hbm>> -> memref<1x1x100x64xf32, #tpu.memory_space<hbm>>
        %dma_wait3A_111 = tpu.memref_squeeze %dma_wait3A_110 : memref<1x1x100x64xf32, #tpu.memory_space<hbm>> -> memref<100x64xf32, #tpu.memory_space<hbm>>
        %dma_wait3A_112 = arith.constant 0 : i32
        %dma_wait3A_113 = arith.constant 0 : i32
        %dma_wait3A_114 = tpu.memref_slice %arg7[%add3A, %add3A_85, %dma_wait3A_112, %dma_wait3A_113] : memref<32x256x100x64xf32, #tpu.memory_space<hbm>> -> memref<1x1x100x64xf32, #tpu.memory_space<hbm>>
        %dma_wait3A_115 = tpu.memref_squeeze %dma_wait3A_114 : memref<1x1x100x64xf32, #tpu.memory_space<hbm>> -> memref<100x64xf32, #tpu.memory_space<hbm>>
        %dma_wait3A_116 = arith.constant 0 : i32
        %dma_wait3A_117 = arith.constant 0 : i32
        %dma_wait3A_118 = tpu.memref_slice %arg9[%run_scoped3A_86, %dma_wait3A_116, %dma_wait3A_117] : memref<2x100x64xf32, #tpu.memory_space<vmem>> -> memref<1x100x64xf32, #tpu.memory_space<vmem>>
        %dma_wait3A_119 = tpu.memref_squeeze %dma_wait3A_118 : memref<1x100x64xf32, #tpu.memory_space<vmem>> -> memref<100x64xf32, #tpu.memory_space<vmem>>
        tpu.wait_dma2 semaphore(%run_scoped3A_87 : memref<!tpu.dma_semaphore, #tpu.memory_space<semaphore_mem>>) src(%dma_wait3A_119 : memref<100x64xf32, #tpu.memory_space<vmem>>) dst(%dma_wait3A_115 : memref<100x64xf32, #tpu.memory_space<hbm>>)
        tpu.yield
      }) : () -> ()
    }
    %scan3A_30 = arith.constant 128 : i32
    return
  }
}

</mosaic_0001>

<sc_bundles>
// kernel: _emb_kernel.3.cloned.1.call-start
scs
__scs_entry_jumppad:
0x0: {  	(pc) =	sbr.rel $0x88, $3  }
0x1: {  	(tag) =	ssettag $0x0;
	lr =	simm.s32 $0x1  }
0x2: {  	[smem:$0x3F9C] =	sst lr;
	_ =	strace $0xD0000000  }
0x3: {  	_ = 	snop  }
0x4: {  	_ = 	snop  }
0x5: {  	_ = 	snop  }
0x6: {  	_ = 	snop  }
0x7: {  	_ = 	snop  }
__scs_overlays_trampoline_lowered:
0x8: {  	[smem:$0x3FAB] =	sst s0  }
0x9: {  	[smem:$0x3FAC] =	sst s1  }
0xa: {  	[smem:$0x3FAD] =	sst s2  }
0xb: {  	[smem:$0x3FAE] =	sst s3  }
0xc: {  	[smem:$0x3FAF] =	sst s4  }
0xd: {  	[smem:$0x3FB0] =	sst s5  }
0xe: {  	[smem:$0x3FB1] =	sst s6  }
0xf: {  	[smem:$0x3FB2] =	sst s7  }
0x10: {  	[smem:$0x3FB3] =	sst s8  }
0x11: {  	[smem:$0x3FB4] =	sst s9;
	s0 =	simm.s32 @!p0 $0x0  }
0x12: {  	s1 =	sld [smem:$0x3F9A];
	s0 =	simm.s32 @p0 $0x1  }
0x13: {  	[smem:$0x3FB5] =	sst s0;
	s0 =	simm.s32 @!p1 $0x0  }
0x14: {  	s2 =	sld [smem:$0x3F99];
	s0 =	simm.s32 @p1 $0x1  }
0x15: {  	[smem:$0x3FB6] =	sst s0;
	s0 =	simm.s32 @!p2 $0x0  }
0x16: {  	s3 =	sld [smem:$0x3FDB];
	s0 =	simm.s32 @p2 $0x1  }
0x17: {  	s4 =	simm.s32 $0x1BF5;
	[smem:$0x3FB8] =	sst s0  }
0x18: {  	s0 =	sld [smem:$0x3F9B];
	_ =	swait.ge [sflag:s4], $0x0  }
0x19: {  	s7 =	sld [smem:$0x3F9C]  }
0x1a: {  	s8 =	sadd.s32 $0xFFFFE003, lr  }
0x1b: {  	s9 =	sadd.s32 $0xFFFFFEF7, lr;
	s5 =	simm.s32 $0xFFFFFFFF;
	p2 =	slt.u32 s8, $0xFFFFF086  }
0x1c: {  	p1 =	slt.u32 s9, $0xF7A;
	s5 =	simm.s32 @!p2 $0x0  }
0x1d: {  	s5 =	simm.s32 @p1 $0x1;
	p0 =	seq.s32 s7, s2  }
0x1e: {  	s7 =	smul.u32 @!p0 $0xF7A, s2;
	p2 =	seq.s32 @!p0 s5, $0x0  }
0x1f: {  	s9 =	smul.u32 $0xF7A, s1;
	s8 =	simm.s32 @!p0 $0x1BF5;
	p2 =	por !p2, p0  }
0x20: {  	[sflag:s8] =	ssyncset.s32 @!p0 $0xFFFFF086;
	s6 =	sadd.s32 @!p0 s3, s7;
	s7 =	simm.s32 @!p0 $0x108  }
0x21: {  	s3 =	sadd.s32 s3, s9;
	s6 =	sadd.s32 @!p0 $0x88, s6;
	s7 =	simm.s32 @p2 $0x1082  }
0x22: {  	[simem:s7], [sflag:s8] =	dma.local @!p0 [hbm:s6], $0xF7A  }
0x23: {  	s9 =	sor.u32 $0xD0000000, s2;
	s6 =	simm.s32 $0x108;
	_ =	swait.ge @!p0 [sflag:s8], $0x0  }
0x24: {  	s3 =	sadd.s32 $0x88, s3;
	s6 =	simm.s32 @!p1 $0x1082;
	[sflag:s4] =	ssyncset.s32 $0xFFFFF086  }
0x25: {  	[simem:s6], [sflag:s4] =	dma.local [hbm:s3], $0xF7A  }
0x26: {  	[smem:$0x3F9C] =	sst s1;
	(tag) =	ssettag s2;
	_ =	strace s9  }
0x27: {  	s1 =	sld [smem:$0x3FAC]  }
0x28: {  	s2 =	sld [smem:$0x3FAD]  }
0x29: {  	s4 =	sld [smem:$0x3FAF]  }
0x2a: {  	p0 =	seq.s32 s5, $0x0;
	s5 =	sld [smem:$0x3FB0]  }
0x2b: {  	s6 =	sld [smem:$0x3FB1]  }
0x2c: {  	s7 =	sld [smem:$0x3FB2]  }
0x2d: {  	s3 =	simm.s32 $0x108;
	s8 =	sld [smem:$0x3FB3]  }
0x2e: {  	s3 =	simm.s32 @!p0 $0x1082;
	s9 =	sld [smem:$0x3FB4]  }
0x2f: {  	lr =	sadd.s32 s0, s3;
	s0 =	sld [smem:$0x3FAB]  }
0x30: {  	s3 =	sld [smem:$0x3FAE]  }
0x31: {  	[smem:$0x3FB7] =	sst s10  }
0x32: {  	s10 =	sld [smem:$0x3FB5];
	_ =	sdelay $0x3  }
0x33: {  	p0 =	seq.s32 s10, $0x1;
	s10 =	sld [smem:$0x3FB7];
	_ =	sdelay $0x3  }
0x34: {  	[smem:$0x3FB7] =	sst s10  }
0x35: {  	s10 =	sld [smem:$0x3FB6];
	_ =	sdelay $0x3  }
0x36: {  	p1 =	seq.s32 s10, $0x1;
	s10 =	sld [smem:$0x3FB7];
	_ =	sdelay $0x3  }
0x37: {  	[smem:$0x3FB7] =	sst s10  }
0x38: {  	s10 =	sld [smem:$0x3FB8]  }
0x39: {  	_ = 	snop;
	(pc) =	sbr.ind lr, $3  }
0x3a: {  	_ = 	snop  }
0x3b: {  	_ = 	snop  }
0x3c: {  	p2 =	seq.s32 s10, $0x1;
	s10 =	sld [smem:$0x3FB7]  }
0x3d: {  	_ =	shalt  }
0x3e: {  	_ =	shalt  }
0x3f: {  	_ =	shalt  }
0x40: {  	_ =	shalt  }
0x41: {  	_ =	shalt  }
0x42: {  	_ =	shalt  }
0x43: {  	_ =	shalt  }
0x44: {  	_ =	shalt  }
0x45: {  	_ =	shalt  }
0x46: {  	_ =	shalt  }
0x47: {  	_ =	shalt  }
0x48: {  	_ =	shalt  }
0x49: {  	_ =	shalt  }
0x4a: {  	_ =	shalt  }
0x4b: {  	_ =	shalt  }
0x4c: {  	_ =	shalt  }
0x4d: {  	_ =	shalt  }
0x4e: {  	_ =	shalt  }
0x4f: {  	_ =	shalt  }
0x50: {  	_ =	shalt  }
0x51: {  	_ =	shalt  }
0x52: {  	_ =	shalt  }
0x53: {  	_ =	shalt  }
0x54: {  	_ =	shalt  }
0x55: {  	_ =	shalt  }
0x56: {  	_ =	shalt  }
0x57: {  	_ =	shalt  }
0x58: {  	_ =	shalt  }
0x59: {  	_ =	shalt  }
0x5a: {  	_ =	shalt  }
0x5b: {  	_ =	shalt  }
0x5c: {  	_ =	shalt  }
0x5d: {  	_ =	shalt  }
0x5e: {  	_ =	shalt  }
0x5f: {  	_ =	shalt  }
0x60: {  	_ =	shalt  }
0x61: {  	_ =	shalt  }
0x62: {  	_ =	shalt  }
0x63: {  	_ =	shalt  }
0x64: {  	_ =	shalt  }
0x65: {  	_ =	shalt  }
0x66: {  	_ =	shalt  }
0x67: {  	_ =	shalt  }
0x68: {  	_ =	shalt  }
0x69: {  	_ =	shalt  }
0x6a: {  	_ =	shalt  }
0x6b: {  	_ =	shalt  }
0x6c: {  	_ =	shalt  }
0x6d: {  	_ =	shalt  }
0x6e: {  	_ =	shalt  }
0x6f: {  	_ =	shalt  }
0x70: {  	_ =	shalt  }
0x71: {  	_ =	shalt  }
0x72: {  	_ =	shalt  }
0x73: {  	_ =	shalt  }
0x74: {  	_ =	shalt  }
0x75: {  	_ =	shalt  }
0x76: {  	_ =	shalt  }
0x77: {  	_ =	shalt  }
0x78: {  	_ =	shalt  }
0x79: {  	_ =	shalt  }
0x7a: {  	_ =	shalt  }
0x7b: {  	_ =	shalt  }
0x7c: {  	_ =	shalt  }
0x7d: {  	_ =	shalt  }
0x7e: {  	_ =	shalt  }
0x7f: {  	_ =	shalt  }
0x80: {  	_ =	shalt  }
0x81: {  	_ =	shalt  }
0x82: {  	_ =	shalt  }
0x83: {  	_ =	shalt  }
0x84: {  	_ =	shalt  }
0x85: {  	_ =	shalt  }
0x86: {  	_ =	shalt  }
0x87: {  	_ =	shalt  }
.Lfunc_end0:
.L_simem_size_0:
called_computation.1_lowered:
.L_overlay_start_0:
0x88: {  	s2 =	sld [smem:$0x3FD9]  }
0x89: {  	s3 =	sld [smem:$0x3FFE];
	_ =	sdelay $0x1  }
0x8a: {  	s1 =	srdreg.scid  }
0x8b: {  	s0 =	sand.u32 $0x1, s1  }
0x8c: {  	s17 =	sshll.u32 s0, $0xA;
	s2 =	sadd.s32 s3, s2  }
0x8d: {  	s2 =	sadd.s32 s2, s17  }
0x8e: {  	[smem:$0x3FC3] =	sst s2  }
0x8f: {  	_ = 	snop  }
0x90: {  	s2 =	sld [smem:$0x3FC6]  }
0x91: {  	s18 =	sld [smem:$0x3FC5]  }
0x92: {  	s4 =	sld [smem:$0x3FD0];
	(tm) =	ssettm $0x1  }
0x93: {  	s5 =	sld [smem:$0x3FFB];
	_ =	sdelay $0x3  }
0x94: {  	_ =	strace s5  }
0x95: {  	s5 =	sld [smem:$0x3FFC];
	_ =	sdelay $0x3  }
0x96: {  	_ =	strace s5  }
0x97: {  	s5 =	sld [smem:$0x3FFD];
	_ =	sdelay $0x3  }
0x98: {  	_ =	strace s5  }
0x99: {  	_ =	strace $0x8FFFFFFF  }
0x9a: {  	s19 =	sld [smem:$0x3FDB];
	_ =	sdelay $0x1  }
0x9b: {  	s6 =	simm.s32 $_scs_section_size  }
0x9c: {  	s7 =	simm.s32 $_size__tile_overlayer_lowered;
	s8 =	simm.s32 $_tile_overlayer_lowered  }
0x9d: {  	s22 =	simm.s32 $0x1BFF;
	s21 =	sshll.u32 s8, $0x1;
	s5 =	sadd.s32 s6, s19  }
0x9e: {  	s9 =	simm.s32 $0x0;
	s20 =	sshll.u32 s7, $0x1;
	s7 =	sadd.s32 s21, s5  }
0x9f: {  	[timem:s9], [sflag:s22] =	dma.local [hbm:s7], s20  }
0xa0: {  	_ =	swait.ge [sflag:s22], s20  }
0xa1: {  	s6 =	ssub.s32 $0x0, s20;
	[sflag:s22] =	ssyncset.done $0x0  }
0xa2: {  	[sflag:s22] =	ssyncadd.s32 s6;
	_ =	sdelay $0x1  }
0xa3: {  	s23 =	simm.s32 $0x1B8B  }
0xa4: {  	_ =	swait.ge [sflag:s23], $0x1  }
0xa5: {  	[sflag:s23] =	ssyncset.done $0x0  }
0xa6: {  	s25 =	simm.s32 $0x1B8E;
	s24 =	sld [smem:$0x3FFE];
	[sflag:s23] =	ssyncadd.s32 $0xFFFFFFFF  }
0xa7: {  	s26 =	simm.s32 $execute0_lowered;
	[smem:$0x3FD2] =	sst s25  }
0xa8: {  	s7 =	sshll.u32 s26, $0x1;
	_ =	strace $0x80000046;
	[dreg:$0x1] =	wrdreg $0xFFFFFFFF  }
0xa9: {  	s28 =	simm.s32 $_size_execute0_lowered;
	s5 =	sadd.s32 s5, s7;
	[dreg:$0x0] =	wrdreg $0x0  }
0xaa: {  	s7 =	sshll.u32 s28, $0x1;
	[dreg:$0x2] =	wrdreg s5  }
0xab: {  	[dreg:$0x3] =	wrdreg s7  }
0xac: {  	[dreg:$0x4] =	wrdreg $0xC0  }
0xad: {  	_ =	task [dreg:s9], $0x5FFFF  }
0xae: {  	[dreg:$0x1] =	wrdreg $0xFFFFFFFF  }
0xaf: {  	[dreg:$0x0] =	wrdreg $0x60  }
0xb0: {  	[dreg:$0x2] =	wrdreg s24  }
0xb1: {  	[dreg:$0x3] =	wrdreg s2  }
0xb2: {  	[dreg:$0x4] =	wrdreg s18  }
0xb3: {  	[dreg:$0x5] =	wrdreg s4  }
0xb4: {  	[dreg:$0x6] =	wrdreg $0x9  }
0xb5: {  	_ =	task.clear_ibuf [dreg:s9], $0x7FFFF;
	_ =	strace $0x90000046  }
0xb6: {  	s29 =	simm.s32 $0x9;
	_ =	strace $0x80000048  }
0xb7: {  	_ =	swait.ge [sflag:s29], $0x1  }
0xb8: {  	[sflag:s29] =	ssyncadd.s32 $0xFFFFFFFF  }
0xb9: {  	_ =	strace $0x90000048  }
0xba: {  	_ =	sfence  }
0xbb: {  	s30 =	sld [smem:$0x0];
	_ =	sdelay $0x2  }
0xbc: {  	s31 =	sshll.u32 s1, $0xD;
	s1 =	sshrl.u32 s1, $0x2  }
0xbd: {  	s3 =	sand.u32 $0x4000, s31;
	s1 =	sadd.s32 s1, s30  }
0xbe: {  	s0 =	sor.u32 s3, s0;
	s1 =	sshll.u32 s1, $0x11  }
0xbf: {  	s0 =	sor.u32 s1, s0  }
0xc0: {  	s0 =	sadd.s32 $0x8F2B, s0  }
0xc1: {  	[sflag:s0] =	ssyncadd.remote.s32 $0x1  }
0xc2: {  	_ =	sfence.sel $0xFFFF  }
0xc3: {  	[dreg:$0x0] =	wrdreg $0xFFFFFFFF;
	(pc) =	sbr.abs _section_cstart, $3  }
0xc4: {  	[dreg:$0x1] =	wrdreg $0xFFFFFFFF  }
0xc5: {  	_ =	task.clear_ibuf [dreg:s9], $0x2FFFF;
	_ =	strace $0x9FFFFFFF  }
0xc6: {  	(tm) =	ssettm $0x7FFFFFFF  }
0xc7: {  	_ =	shalt  }
tec
execute0_lowered:
.L_overlay_start_1:
0x0: {  	(tag) =	ssettag $0x1  }
0x1: {  	s7 =	rddreg [dreg:$0x0]  }
0x2: {  	s1 =	rddreg [dreg:$0x1]  }
0x3: {  	s3 =	rddreg [dreg:$0x2];
	s2 =	srdreg.scid  }
0x4: {  	s0 =	stileid.u32;
	s4 =	rddreg [dreg:$0x3]  }
0x5: {  	s5 =	simm.s32 $0x0;
	s12 =	simm.s32 $0x9A00;
	s13 =	simm.s32 $0xCC00  }
0x6: {  	s14 =	simm.s32 $0xCC40;
	s15 =	simm.s32 $0x64;
	s16 =	simm.s32 $0x6800  }
0x7: {  	s17 =	simm.s32 $0x8100;
	s18 =	simm.s32 $0x1;
	s19 =	simm.s32 $0x2  }
0x8: {  	s6 =	sand.u32 $0x1, s2;
	s8 =	sshll.u32 s0, $0x1;
	s2 =	rddreg [dreg:$0x4]  }
0x9: {  	s20 =	simm.s32 $0x0;
	[smem:$0x7FF] =	sst s5;
	s9 =	sor.u32 s6, s8  }
0xa: {  	_ =	strace $0x80000047;
	s10 =	ssub.s32 $0x2, s6;
	s8 =	smul.u32 $0xD00, s9  }
0xb: {  	s6 =	sadd.s32 $0x1B000, s7;
	s11 =	sshrl.u32 s10, $0x1;
	s9 =	smul.u32 $0x190000, s9  }
0xc: {  	s10 =	ssub.s32 s10, s11;
	s11 =	simm.s32 $0x3;
	s8 =	sadd.s32 s8, s7  }
0xd: {  	s7 =	sadd.s32 $0x800, s7;
	s10 =	smax.u32 s10, $0x1;
	s8 =	sadd.s32 $0x1000, s8  }
.LBB2_1:
0xe: {  	[tilespmem:s5], [sflag:$0x3] =	stream.linear.gather [hbm4b:s8+s5], $0x6800, $0x38;
	[tilespmem:$0xCC80] =	vst v63  }
0xf: {  	_ =	swait.ge [sflag:s11], $0x6800  }
0x10: {  	[sflag:s11] =	ssyncset.done $0x0  }
0x11: {  	[sflag:s11] =	ssyncadd.s32 $0xFFFF9800  }
0x12: {  	[tilespmem:s12], [sflag:$0x3] =	stream.linear.gather [hbm4b:s7+s5], $0x3200, $0x38;
	[tilespmem:$0xCC80] =	vst v63  }
0x13: {  	_ =	swait.ge [sflag:s11], $0x3200  }
0x14: {  	[sflag:s11] =	ssyncset.done $0x0  }
0x15: {  	[sflag:s11] =	ssyncadd.s32 $0xFFFFCE00  }
0x16: {  	[tilespmem:s13], [sflag:$0x3] =	stream.linear.gather [hbm4b:s1+s5], $0x40, $0x38;
	[tilespmem:$0xCC80] =	vst v63  }
0x17: {  	_ =	swait.ge [sflag:s11], $0x40  }
0x18: {  	[sflag:s11] =	ssyncset.done $0x0  }
0x19: {  	[sflag:s11] =	ssyncadd.s32 $0xFFFFFFC0  }
0x1a: {  	[tilespmem:s14], [sflag:$0x3] =	stream.linear.gather [hbm4b:s3+s5], $0x40, $0x38;
	[tilespmem:$0xCC80] =	vst v63  }
0x1b: {  	_ =	swait.ge [sflag:s11], $0x40  }
0x1c: {  	[sflag:s11] =	ssyncset.done $0x0  }
0x1d: {  	[sflag:s11] =	ssyncadd.s32 $0xFFFFFFC0  }
0x1e: {  	v0 =	vld [tilespmem:$0xCC00]  }
0x1f: {  	v1 =	vld [tilespmem:$0xCC10]  }
0x20: {  	v2 =	vld [tilespmem:$0xCC20]  }
0x21: {  	v3 =	vld [tilespmem:$0xCC30]  }
0x22: {  	v4 =	vld [tilespmem:$0xCC40]  }
0x23: {  	v5 =	vld [tilespmem:$0xCC50]  }
0x24: {  	s21 =	simm.s32 $0x0;
	v6 =	vld [tilespmem:$0xCC60]  }
0x25: {  	v7 =	vld [tilespmem:$0xCC70];
	[tilespmem:s16], [sflag:$0x1] =	stream.indirect.gather [hbm4b:s6+s15], $0x40, s5, s15, $0xb8  }
.LBB2_2:
0x26: {  	s22 =	sshllo.u32 s21, $0x1  }
0x27: {  	s23 =	smul.u32 $0x1A0, s22;
	_ =	sdelay $0x1  }
0x28: {  	s23 =	sshra.s32 s23, $0x2  }
0x29: {  	[tilespmem:s17], [sflag:$0x2] =	stream.indirect.gather [hbm4b:s6+s15], $0x40, s23, s15, $0xb8;
	[tilespmem:$0xCC80] =	vst v63  }
0x2a: {  	_ =	swait.ge [sflag:s18], $0x1900  }
0x2b: {  	[sflag:s18] =	ssyncset.done $0x0  }
0x2c: {  	s23 =	simm.s32 $0x0;
	[sflag:s18] =	ssyncadd.s32 $0xFFFFE700  }
0x2d: {  	v8 =	vld [tilespmem:s23+$0x9A30]  }
0x2e: {  	v10 =	vld [tilespmem:s23+$0x9A20]  }
0x2f: {  	v9 =	vld [tilespmem:s23+$0x9A10]  }
0x30: {  	v11 =	vld [tilespmem:s23+$0x9A00]  }
0x31: {  	v12 =	vld [tilespmem:s23+$0x6810]  }
0x32: {  	v13 =	vld [tilespmem:s23+$0x6830]  }
0x33: {  	v14 =	vld [tilespmem:s23+$0x6800]  }
0x34: {  	v15 =	vld [tilespmem:s23+$0x6820];
	_ =	sdelay $0x2  }
0x35: {  	v8 =	vadd.f32 v8, v13  }
0x36: {  	v13 =	vadd.f32 v9, v12;
	v9 =	vadd.f32 v11, v14  }
0x37: {  	v11 =	vadd.f32 v10, v15;
	v10 =	vmul.f32 v8, v8  }
0x38: {  	v12 =	vmul.f32 v9, v9;
	v14 =	vmul.f32 v13, v13  }
0x39: {  	v15 =	vadd.f32 v13, v9;
	v16 =	vadd.f32 v8, v11;
	v17 =	vmul.f32 v11, v11  }
0x3a: {  	v12 =	vadd.f32 v14, v12  }
0x3b: {  	v14 =	vadd.f32 v16, v15;
	v10 =	vadd.f32 v10, v17;
	_ =	sdelay $0x1  }
0x3c: {  	v10 =	vadd.f32 v10, v12;
	(xrf2) =	vadd.scan.msk.f32 $0xffff, v14;
	_ =	sdelay $0x1  }
0x3d: {  	(xrf2) =	vadd.scan.msk.f32 $0xffff, v10;
	_ =	sdelay $0x7  }
0x3e: {  	v10, _, _ =	vpop (xrf2)  }
0x3f: {  	v12 =	vmul.f32 $1.562500000e-02, v10  }
0x40: {  	v10, _, _ =	vpop (xrf2)  }
0x41: {  	v14 =	vmul.f32 v12, v12;
	v10 =	vmul.f32 $1.562500000e-02, v10;
	_ =	sdelay $0x1  }
0x42: {  	v10 =	vsub.f32 v10, v14;
	_ =	sdelay $0x1  }
0x43: {  	v10 =	vadd.f32 $9.999999740e-06, v10;
	_ =	sdelay $0x1  }
0x44: {  	v10 =	vbroadcast v10, $0xF;
	_ =	sdelay $0x1  }
0x45: {  	v14 =	vshra.s32 v10, $0x1;
	v15 =	vmul.f32 $5.000000000e-01, v10  }
0x46: {  	v10 =	vsub.s32 $0x5F3759DF, v14  }
0x47: {  	v14 =	vmul.f32 v10, v15;
	_ =	sdelay $0x1  }
0x48: {  	v14 =	vmul.f32 v10, v14;
	_ =	sdelay $0x1  }
0x49: {  	v14 =	vsub.f32 $1.500000000e+00, v14;
	_ =	sdelay $0x1  }
0x4a: {  	v10 =	vmul.f32 v10, v14;
	_ =	sdelay $0x1  }
0x4b: {  	v14 =	vmul.f32 v10, v15;
	_ =	sdelay $0x1  }
0x4c: {  	v14 =	vmul.f32 v14, v10;
	_ =	sdelay $0x1  }
0x4d: {  	v14 =	vsub.f32 $1.500000000e+00, v14;
	_ =	sdelay $0x1  }
0x4e: {  	v10 =	vmul.f32 v14, v10;
	_ =	sdelay $0x1  }
0x4f: {  	v14 =	vmul.f32 v10, v15;
	_ =	sdelay $0x1  }
0x50: {  	v14 =	vmul.f32 v14, v10  }
0x51: {  	v12 =	vbroadcast v12, $0xF  }
0x52: {  	v14 =	vsub.f32 $1.500000000e+00, v14  }
0x53: {  	s24 =	simm.s32 $0x100;
	v13 =	vsub.f32 v13, v12;
	v11 =	vsub.f32 v11, v12  }
.LBB2_3:
0x54: {  	p0 =	sne.s32 s24, $0x6300;
	v10 =	vmul.f32 v14, v10;
	v9 =	vsub.f32 v9, v12;
	v8 =	vsub.f32 v8, v12;
	s25 =	smov.u32 s24;
	s24 =	sadd.s32 $0x100, s24  }
0x55: {  	_ = 	snop  }
0x56: {  	v12 =	vmul.f32 v10, v13;
	v11 =	vmul.f32 v10, v11  }
0x57: {  	v9 =	vmul.f32 v10, v9;
	v8 =	vmul.f32 v10, v8  }
0x58: {  	s25 =	sshra.s32 s25, $0x2;
	v10 =	vmul.f32 v12, v1;
	v11 =	vmul.f32 v11, v2  }
0x59: {  	v9 =	vmul.f32 v9, v0;
	v8 =	vmul.f32 v8, v3;
	v12 =	vld [tilespmem:s25+$0x9A30]  }
0x5a: {  	v13 =	vld [tilespmem:s25+$0x9A20];
	v10 =	vadd.f32 v10, v5;
	v11 =	vadd.f32 v11, v6  }
0x5b: {  	v9 =	vadd.f32 v9, v4;
	v8 =	vadd.f32 v8, v7;
	v14 =	vld [tilespmem:s25+$0x9A10]  }
0x5c: {  	v15 =	vld [tilespmem:s25+$0x9A00];
	[tilespmem:s23+$0x6810] =	vst v10  }
0x5d: {  	v10 =	vld [tilespmem:s25+$0x6810];
	[tilespmem:s23+$0x6830] =	vst v8  }
0x5e: {  	v8 =	vld [tilespmem:s25+$0x6830];
	[tilespmem:s23+$0x6800] =	vst v9  }
0x5f: {  	v9 =	vld [tilespmem:s25+$0x6800];
	[tilespmem:s23+$0x6820] =	vst v11;
	s23 =	smov.u32 s25  }
0x60: {  	v11 =	vld [tilespmem:s23+$0x6820];
	_ =	sdelay $0x1  }
0x61: {  	v16 =	vadd.f32 v14, v10  }
0x62: {  	v8 =	vadd.f32 v12, v8  }
0x63: {  	v9 =	vadd.f32 v15, v9  }
0x64: {  	v11 =	vadd.f32 v13, v11;
	v10 =	vmul.f32 v8, v8  }
0x65: {  	v13 =	vmul.f32 v16, v16;
	v12 =	vmul.f32 v9, v9  }
0x66: {  	v14 =	vadd.f32 v16, v9;
	v15 =	vadd.f32 v8, v11;
	v17 =	vmul.f32 v11, v11  }
0x67: {  	v12 =	vadd.f32 v13, v12  }
0x68: {  	v13 =	vadd.f32 v15, v14;
	v10 =	vadd.f32 v10, v17;
	_ =	sdelay $0x1  }
0x69: {  	v10 =	vadd.f32 v10, v12;
	(xrf2) =	vadd.scan.msk.f32 $0xffff, v13;
	_ =	sdelay $0x2  }
0x6a: {  	(xrf2) =	vadd.scan.msk.f32 $0xffff, v10;
	_ =	sdelay $0x6  }
0x6b: {  	v10, _, _ =	vpop (xrf2)  }
0x6c: {  	v12 =	vmul.f32 $1.562500000e-02, v10;
	_ =	sdelay $0x1  }
0x6d: {  	v10 =	vmul.f32 v12, v12;
	v13, _, _ =	vpop (xrf2)  }
0x6e: {  	v13 =	vmul.f32 $1.562500000e-02, v13;
	_ =	sdelay $0x1  }
0x6f: {  	v10 =	vsub.f32 v13, v10;
	_ =	sdelay $0x1  }
0x70: {  	v10 =	vadd.f32 $9.999999740e-06, v10;
	_ =	sdelay $0x1  }
0x71: {  	v10 =	vbroadcast v10, $0xF;
	_ =	sdelay $0x1  }
0x72: {  	v13 =	vshra.s32 v10, $0x1;
	v14 =	vmul.f32 $5.000000000e-01, v10  }
0x73: {  	v10 =	vsub.s32 $0x5F3759DF, v13  }
0x74: {  	v13 =	vmul.f32 v10, v14;
	_ =	sdelay $0x1  }
0x75: {  	v13 =	vmul.f32 v10, v13;
	_ =	sdelay $0x1  }
0x76: {  	v13 =	vsub.f32 $1.500000000e+00, v13;
	_ =	sdelay $0x1  }
0x77: {  	v10 =	vmul.f32 v10, v13;
	_ =	sdelay $0x1  }
0x78: {  	v13 =	vmul.f32 v10, v14;
	_ =	sdelay $0x1  }
0x79: {  	v13 =	vmul.f32 v13, v10;
	_ =	sdelay $0x1  }
0x7a: {  	v13 =	vsub.f32 $1.500000000e+00, v13;
	_ =	sdelay $0x1  }
0x7b: {  	v10 =	vmul.f32 v13, v10;
	_ =	sdelay $0x1  }
0x7c: {  	v13 =	vmul.f32 v10, v14  }
.Ltmp0:
0x7d: {  	(pc) =	sbr.rel @p0 .LBB2_3-.Ltmp0, $4  }
0x7e: {  	v13 =	vmul.f32 v13, v10  }
0x7f: {  	v12 =	vbroadcast v12, $0xF  }
0x80: {  	v14 =	vsub.f32 $1.500000000e+00, v13  }
0x81: {  	v11 =	vsub.f32 v11, v12;
	v13 =	vsub.f32 v16, v12  }
0x82: {  	v10 =	vmul.f32 v14, v10  }
0x83: {  	v8 =	vsub.f32 v8, v12  }
0x84: {  	v9 =	vsub.f32 v9, v12;
	v12 =	vmul.f32 v10, v13  }
0x85: {  	v8 =	vmul.f32 v10, v8  }
0x86: {  	v9 =	vmul.f32 v10, v9;
	v12 =	vmul.f32 v12, v1  }
0x87: {  	v10 =	vmul.f32 v10, v11;
	v8 =	vmul.f32 v8, v3  }
0x88: {  	v9 =	vmul.f32 v9, v0;
	v11 =	vadd.f32 v12, v5  }
0x89: {  	s24 =	smul.u32 $0x3200, s21;
	v10 =	vmul.f32 v10, v2;
	v8 =	vadd.f32 v8, v7  }
0x8a: {  	v9 =	vadd.f32 v9, v4;
	[tilespmem:s23+$0x6810] =	vst v11  }
0x8b: {  	s24 =	sadd.s32 s9, s24;
	v10 =	vadd.f32 v10, v6;
	[tilespmem:s23+$0x6830] =	vst v8  }
0x8c: {  	p0 =	seq.s32 s21, $0x7F;
	s24 =	sshrl.u32 s24, $0x3;
	[tilespmem:s23+$0x6800] =	vst v9  }
0x8d: {  	s31 =	sadd.s32 s4, s24;
	[tilespmem:s23+$0x6820] =	vst v10;
	s23 =	smul.u32 @!p0 $0x340, s21  }
0x8e: {  	[hbm4b:s31+s5] =	stream.linear.scatter [tilespmem:s16], [sflag:$0x3], $0x1900, $0x38;
	[tilespmem:$0xCC80] =	vst v63  }
0x8f: {  	_ =	swait.ge [sflag:s11], $0x1900  }
0x90: {  	s25 =	simm.s32 @!p0 $0x6800;
	s23 =	sshra.s32 @!p0 s23, $0x2;
	[sflag:s11] =	ssyncset.done $0x0  }
0x91: {  	s24 =	simm.s32 @!p0 $0x64;
	s23 =	sadd.s32 @!p0 $0xD0, s23;
	[sflag:s11] =	ssyncadd.s32 $0xFFFFE700  }
0x92: {  	[tilespmem:s25], [sflag:$0x1] =	stream.indirect.gather @!p0 [hbm4b:s6+s24], $0x40, s23, s24, $0xb8;
	[tilespmem:$0xCC80] =	vst v63  }
0x93: {  	_ =	swait.ge [sflag:s19], $0x1900  }
0x94: {  	[sflag:s19] =	ssyncset.done $0x0  }
0x95: {  	s23 =	simm.s32 $0x0;
	[sflag:s19] =	ssyncadd.s32 $0xFFFFE700  }
0x96: {  	v8 =	vld [tilespmem:s23+$0xB330]  }
0x97: {  	v10 =	vld [tilespmem:s23+$0xB320]  }
0x98: {  	v9 =	vld [tilespmem:s23+$0xB310]  }
0x99: {  	v11 =	vld [tilespmem:s23+$0xB300]  }
0x9a: {  	v12 =	vld [tilespmem:s23+$0x8110]  }
0x9b: {  	v13 =	vld [tilespmem:s23+$0x8130]  }
0x9c: {  	v14 =	vld [tilespmem:s23+$0x8100]  }
0x9d: {  	v15 =	vld [tilespmem:s23+$0x8120];
	_ =	sdelay $0x2  }
0x9e: {  	v8 =	vadd.f32 v8, v13  }
0x9f: {  	v13 =	vadd.f32 v9, v12;
	v9 =	vadd.f32 v11, v14  }
0xa0: {  	v11 =	vadd.f32 v10, v15;
	v10 =	vmul.f32 v8, v8  }
0xa1: {  	v12 =	vmul.f32 v9, v9;
	v14 =	vmul.f32 v13, v13  }
0xa2: {  	v15 =	vadd.f32 v13, v9;
	v16 =	vadd.f32 v8, v11;
	v17 =	vmul.f32 v11, v11  }
0xa3: {  	v12 =	vadd.f32 v14, v12  }
0xa4: {  	v14 =	vadd.f32 v16, v15;
	v10 =	vadd.f32 v10, v17;
	_ =	sdelay $0x1  }
0xa5: {  	v10 =	vadd.f32 v10, v12;
	(xrf2) =	vadd.scan.msk.f32 $0xffff, v14;
	_ =	sdelay $0x1  }
0xa6: {  	(xrf2) =	vadd.scan.msk.f32 $0xffff, v10;
	_ =	sdelay $0x7  }
0xa7: {  	v10, _, _ =	vpop (xrf2)  }
0xa8: {  	v12 =	vmul.f32 $1.562500000e-02, v10  }
0xa9: {  	v10, _, _ =	vpop (xrf2)  }
0xaa: {  	v14 =	vmul.f32 v12, v12;
	v10 =	vmul.f32 $1.562500000e-02, v10;
	_ =	sdelay $0x1  }
0xab: {  	v10 =	vsub.f32 v10, v14;
	_ =	sdelay $0x1  }
0xac: {  	v10 =	vadd.f32 $9.999999740e-06, v10;
	_ =	sdelay $0x1  }
0xad: {  	v10 =	vbroadcast v10, $0xF;
	_ =	sdelay $0x1  }
0xae: {  	v14 =	vshra.s32 v10, $0x1;
	v15 =	vmul.f32 $5.000000000e-01, v10  }
0xaf: {  	v10 =	vsub.s32 $0x5F3759DF, v14  }
0xb0: {  	v14 =	vmul.f32 v10, v15;
	_ =	sdelay $0x1  }
0xb1: {  	v14 =	vmul.f32 v10, v14;
	_ =	sdelay $0x1  }
0xb2: {  	v14 =	vsub.f32 $1.500000000e+00, v14;
	_ =	sdelay $0x1  }
0xb3: {  	v10 =	vmul.f32 v10, v14;
	_ =	sdelay $0x1  }
0xb4: {  	v14 =	vmul.f32 v10, v15;
	_ =	sdelay $0x1  }
0xb5: {  	v14 =	vmul.f32 v14, v10;
	_ =	sdelay $0x1  }
0xb6: {  	v14 =	vsub.f32 $1.500000000e+00, v14;
	_ =	sdelay $0x1  }
0xb7: {  	v10 =	vmul.f32 v14, v10;
	_ =	sdelay $0x1  }
0xb8: {  	v14 =	vmul.f32 v10, v15;
	_ =	sdelay $0x1  }
0xb9: {  	v14 =	vmul.f32 v14, v10  }
0xba: {  	v12 =	vbroadcast v12, $0xF  }
0xbb: {  	v14 =	vsub.f32 $1.500000000e+00, v14  }
0xbc: {  	s24 =	simm.s32 $0x100;
	v13 =	vsub.f32 v13, v12;
	v11 =	vsub.f32 v11, v12  }
.LBB2_5:
0xbd: {  	p0 =	sne.s32 s24, $0x6300;
	v10 =	vmul.f32 v14, v10;
	v9 =	vsub.f32 v9, v12;
	v8 =	vsub.f32 v8, v12;
	s25 =	smov.u32 s24;
	s24 =	sadd.s32 $0x100, s24  }
0xbe: {  	_ = 	snop  }
0xbf: {  	v12 =	vmul.f32 v10, v13;
	v11 =	vmul.f32 v10, v11  }
0xc0: {  	v9 =	vmul.f32 v10, v9;
	v8 =	vmul.f32 v10, v8  }
0xc1: {  	s25 =	sshra.s32 s25, $0x2;
	v10 =	vmul.f32 v12, v1;
	v11 =	vmul.f32 v11, v2  }
0xc2: {  	v9 =	vmul.f32 v9, v0;
	v8 =	vmul.f32 v8, v3;
	v12 =	vld [tilespmem:s25+$0xB330]  }
0xc3: {  	v13 =	vld [tilespmem:s25+$0xB320];
	v10 =	vadd.f32 v10, v5;
	v11 =	vadd.f32 v11, v6  }
0xc4: {  	v9 =	vadd.f32 v9, v4;
	v8 =	vadd.f32 v8, v7;
	v14 =	vld [tilespmem:s25+$0xB310]  }
0xc5: {  	v15 =	vld [tilespmem:s25+$0xB300];
	[tilespmem:s23+$0x8110] =	vst v10  }
0xc6: {  	v10 =	vld [tilespmem:s25+$0x8110];
	[tilespmem:s23+$0x8130] =	vst v8  }
0xc7: {  	v8 =	vld [tilespmem:s25+$0x8130];
	[tilespmem:s23+$0x8100] =	vst v9  }
0xc8: {  	v9 =	vld [tilespmem:s25+$0x8100];
	[tilespmem:s23+$0x8120] =	vst v11;
	s23 =	smov.u32 s25  }
0xc9: {  	v11 =	vld [tilespmem:s23+$0x8120];
	_ =	sdelay $0x1  }
0xca: {  	v16 =	vadd.f32 v14, v10  }
0xcb: {  	v8 =	vadd.f32 v12, v8  }
0xcc: {  	v9 =	vadd.f32 v15, v9  }
0xcd: {  	v11 =	vadd.f32 v13, v11;
	v10 =	vmul.f32 v8, v8  }
0xce: {  	v13 =	vmul.f32 v16, v16;
	v12 =	vmul.f32 v9, v9  }
0xcf: {  	v14 =	vadd.f32 v16, v9;
	v15 =	vadd.f32 v8, v11;
	v17 =	vmul.f32 v11, v11  }
0xd0: {  	v12 =	vadd.f32 v13, v12  }
0xd1: {  	v13 =	vadd.f32 v15, v14;
	v10 =	vadd.f32 v10, v17;
	_ =	sdelay $0x1  }
0xd2: {  	v10 =	vadd.f32 v10, v12;
	(xrf2) =	vadd.scan.msk.f32 $0xffff, v13;
	_ =	sdelay $0x2  }
0xd3: {  	(xrf2) =	vadd.scan.msk.f32 $0xffff, v10;
	_ =	sdelay $0x6  }
0xd4: {  	v10, _, _ =	vpop (xrf2)  }
0xd5: {  	v12 =	vmul.f32 $1.562500000e-02, v10;
	_ =	sdelay $0x1  }
0xd6: {  	v10 =	vmul.f32 v12, v12;
	v13, _, _ =	vpop (xrf2)  }
0xd7: {  	v13 =	vmul.f32 $1.562500000e-02, v13;
	_ =	sdelay $0x1  }
0xd8: {  	v10 =	vsub.f32 v13, v10;
	_ =	sdelay $0x1  }
0xd9: {  	v10 =	vadd.f32 $9.999999740e-06, v10;
	_ =	sdelay $0x1  }
0xda: {  	v10 =	vbroadcast v10, $0xF;
	_ =	sdelay $0x1  }
0xdb: {  	v13 =	vshra.s32 v10, $0x1;
	v14 =	vmul.f32 $5.000000000e-01, v10  }
0xdc: {  	v10 =	vsub.s32 $0x5F3759DF, v13  }
0xdd: {  	v13 =	vmul.f32 v10, v14;
	_ =	sdelay $0x1  }
0xde: {  	v13 =	vmul.f32 v10, v13;
	_ =	sdelay $0x1  }
0xdf: {  	v13 =	vsub.f32 $1.500000000e+00, v13;
	_ =	sdelay $0x1  }
0xe0: {  	v10 =	vmul.f32 v10, v13;
	_ =	sdelay $0x1  }
0xe1: {  	v13 =	vmul.f32 v10, v14;
	_ =	sdelay $0x1  }
0xe2: {  	v13 =	vmul.f32 v13, v10;
	_ =	sdelay $0x1  }
0xe3: {  	v13 =	vsub.f32 $1.500000000e+00, v13;
	_ =	sdelay $0x1  }
0xe4: {  	v10 =	vmul.f32 v13, v10;
	_ =	sdelay $0x1  }
0xe5: {  	v13 =	vmul.f32 v10, v14  }
.Ltmp1:
0xe6: {  	(pc) =	sbr.rel @p0 .LBB2_5-.Ltmp1, $4  }
0xe7: {  	v13 =	vmul.f32 v13, v10  }
0xe8: {  	v12 =	vbroadcast v12, $0xF  }
0xe9: {  	v14 =	vsub.f32 $1.500000000e+00, v13  }
0xea: {  	v11 =	vsub.f32 v11, v12;
	v13 =	vsub.f32 v16, v12  }
0xeb: {  	v10 =	vmul.f32 v14, v10  }
0xec: {  	v8 =	vsub.f32 v8, v12  }
0xed: {  	v9 =	vsub.f32 v9, v12;
	v62 =	vmul.f32 v10, v13  }
0xee: {  	v8 =	vmul.f32 v10, v8  }
0xef: {  	v9 =	vmul.f32 v10, v9;
	v12 =	vmul.f32 v62, v1  }
0xf0: {  	v10 =	vmul.f32 v10, v11;
	v8 =	vmul.f32 v8, v3  }
0xf1: {  	v9 =	vmul.f32 v9, v0;
	v63 =	vadd.f32 v12, v5  }
0xf2: {  	s22 =	smul.u32 $0x1900, s22;
	v10 =	vmul.f32 v10, v2;
	v8 =	vadd.f32 v8, v7  }
0xf3: {  	v9 =	vadd.f32 v9, v4;
	[tilespmem:s23+$0x8110] =	vst v63  }
0xf4: {  	s21 =	sadd.s32 $0x1, s21;
	s22 =	sadd.s32 s9, s22;
	v10 =	vadd.f32 v10, v6;
	[tilespmem:s23+$0x8130] =	vst v8  }
0xf5: {  	p0 =	sne.s32 s21, $0x80;
	s22 =	sshrl.u32 s22, $0x3;
	[tilespmem:s23+$0x8100] =	vst v9  }
.Ltmp2:
0xf6: {  	s22 =	sadd.s32 s4, s22;
	[tilespmem:s23+$0x8120] =	vst v10;
	(pc) =	sbr.rel @p0 .LBB2_2-.Ltmp2, $4  }
0xf7: {  	[hbm4b:s22+s5] =	stream.linear.scatter [tilespmem:s17], [sflag:$0x3], $0x1900, $0x38;
	[tilespmem:$0xCC80] =	vst v63  }
0xf8: {  	_ =	swait.ge [sflag:s11], $0x1900  }
0xf9: {  	[sflag:s11] =	ssyncset.done $0x0  }
0xfa: {  	[sflag:s11] =	ssyncadd.s32 $0xFFFFE700  }
0xfb: {  	s20 =	sadd.s32 $0x1, s20  }
0xfc: {  	p0 =	sne.s32 s20, s10  }
.Ltmp3:
0xfd: {  	_ = 	snop;
	(pc) =	sbr.rel @p0 .LBB2_1-.Ltmp3, $1  }
0xfe: {  	_ =	sdelay $0x3  }
0xff: {  	_ =	sfence.sel $0x180000  }
0x100: {  	[bflag:$0x0] =	sbarrier.arrive $0xFFFF  }
0x101: {  	p0 =	sne.s32 s0, $0x0;
	_ =	strace $0x90000047  }
0x102: {  	s0 =	sadd.s32 @!p0 $0x100000, s2;
	[bflag:$0x2] =	sbarrier.arrive $0xFFFF  }
0x103: {  	[sflag:s0] =	ssyncadd.tile.s32 @!p0 $0x1;
	_ =	shalt  }
.Lfunc_end2:
_tile_overlayer_lowered:
.L_overlay_start_2:
0x104: {  	(tag) =	ssettag $0x2  }
0x105: {  	s0 =	rddreg [dreg:$0x0];
	s2 =	stileid.u32  }
0x106: {  	s1 =	rddreg [dreg:$0x1];
	p0 =	sne.s32 s2, $0x0  }
0x107: {  	s3 =	rddreg [dreg:$0x2];
	[bflag:$0x3] =	sbarrier.arrive $0xFFFF;
	s2 =	simm.s32 @!p0 $0x1C03  }
0x108: {  	[timem:s3], [sflag:s2] =	dma.local @!p0 [hbm:s0], s1  }
0x109: {  	s0 =	simm.s32 @!p0 $0x3  }
0x10a: {  	_ =	swait.ge @!p0 [sflag:s0], s1  }
0x10b: {  	s1 =	ssub.s32 @!p0 $0x0, s1;
	[sflag:s0] =	ssyncset.done @!p0 $0x0  }
0x10c: {  	[sflag:s0] =	ssyncadd.s32 @!p0 s1  }
0x10d: {  	[bflag:$0x3] =	sbarrier.arrive $0xFFFF  }
0x10e: {  	_ =	shalt  }

// kernel: sparse-core-data-format-call.cloned.1.call-start
scs
called_computation_lowered:
.L_overlay_start_0:
0x0: {  	s2 =	sld [smem:$0x3FD9]  }
0x1: {  	s3 =	sld [smem:$0x3FFE];
	_ =	sdelay $0x1  }
0x2: {  	s1 =	srdreg.scid  }
0x3: {  	s0 =	sand.u32 $0x1, s1  }
0x4: {  	s18 =	sshll.u32 s0, $0xA;
	s2 =	sadd.s32 s3, s2  }
0x5: {  	s2 =	sadd.s32 s2, s18  }
0x6: {  	[smem:$0x3FC3] =	sst s2  }
0x7: {  	_ = 	snop  }
0x8: {  	s2 =	sld [smem:$0x3FD0];
	(tm) =	ssettm $0x1  }
0x9: {  	s19 =	sld [smem:$0x3FFB];
	_ =	sdelay $0x3  }
0xa: {  	_ =	strace s19  }
0xb: {  	s3 =	sld [smem:$0x3FFC];
	_ =	sdelay $0x3  }
0xc: {  	_ =	strace s3  }
0xd: {  	s3 =	sld [smem:$0x3FFD];
	_ =	sdelay $0x3  }
0xe: {  	_ =	strace s3  }
0xf: {  	_ =	strace $0x8FFFFFFF  }
0x10: {  	s20 =	sld [smem:$0x3FDB];
	_ =	sdelay $0x1  }
0x11: {  	s4 =	simm.s32 $_scs_section_size  }
0x12: {  	s5 =	simm.s32 $_size__tile_overlayer_lowered;
	s6 =	simm.s32 $_tile_overlayer_lowered  }
0x13: {  	s23 =	simm.s32 $0x1BFF;
	s22 =	sshll.u32 s6, $0x1;
	s3 =	sadd.s32 s4, s20  }
0x14: {  	s7 =	simm.s32 $0x0;
	s21 =	sshll.u32 s5, $0x1;
	s5 =	sadd.s32 s22, s3  }
0x15: {  	[timem:s7], [sflag:s23] =	dma.local [hbm:s5], s21  }
0x16: {  	_ =	swait.ge [sflag:s23], s21  }
0x17: {  	s4 =	ssub.s32 $0x0, s21;
	[sflag:s23] =	ssyncset.done $0x0  }
0x18: {  	[sflag:s23] =	ssyncadd.s32 s4;
	_ =	sdelay $0x1  }
0x19: {  	s24 =	simm.s32 $0x1B8B  }
0x1a: {  	_ =	swait.ge [sflag:s24], $0x1  }
0x1b: {  	[sflag:s24] =	ssyncset.done $0x0  }
0x1c: {  	s26 =	simm.s32 $0x1B8E;
	s25 =	sld [smem:$0x3FFE];
	[sflag:s24] =	ssyncadd.s32 $0xFFFFFFFF  }
0x1d: {  	s27 =	simm.s32 $execute0_lowered;
	[smem:$0x3FD2] =	sst s26  }
0x1e: {  	s5 =	sshll.u32 s27, $0x1;
	_ =	strace $0x80000049;
	[dreg:$0x1] =	wrdreg $0xFFFFFFFF  }
0x1f: {  	s28 =	simm.s32 $_size_execute0_lowered;
	s3 =	sadd.s32 s3, s5;
	[dreg:$0x0] =	wrdreg $0x0  }
0x20: {  	s5 =	sshll.u32 s28, $0x1;
	[dreg:$0x2] =	wrdreg s3  }
0x21: {  	[dreg:$0x3] =	wrdreg s5  }
0x22: {  	[dreg:$0x4] =	wrdreg $0xC0  }
0x23: {  	_ =	task [dreg:s7], $0x5FFFF  }
0x24: {  	[dreg:$0x1] =	wrdreg $0xFFFFFFFF  }
0x25: {  	[dreg:$0x0] =	wrdreg $0x60  }
0x26: {  	[dreg:$0x2] =	wrdreg s25  }
0x27: {  	[dreg:$0x3] =	wrdreg s2  }
0x28: {  	[dreg:$0x4] =	wrdreg $0x9  }
0x29: {  	_ =	task.clear_ibuf [dreg:s7], $0x5FFFF;
	_ =	strace $0x90000049  }
0x2a: {  	s29 =	simm.s32 $0x9;
	_ =	strace $0x8000004B  }
0x2b: {  	_ =	swait.ge [sflag:s29], $0x1  }
0x2c: {  	[sflag:s29] =	ssyncadd.s32 $0xFFFFFFFF  }
0x2d: {  	_ =	strace $0x9000004B  }
0x2e: {  	_ =	sfence  }
0x2f: {  	s30 =	sld [smem:$0x0];
	_ =	sdelay $0x2  }
0x30: {  	s31 =	sshll.u32 s1, $0xD;
	s1 =	sshrl.u32 s1, $0x2  }
0x31: {  	s3 =	sand.u32 $0x4000, s31;
	s1 =	sadd.s32 s1, s30  }
0x32: {  	s0 =	sor.u32 s3, s0;
	s1 =	sshll.u32 s1, $0x11  }
0x33: {  	s0 =	sor.u32 s1, s0  }
0x34: {  	s0 =	sadd.s32 $0x8F2B, s0  }
0x35: {  	[sflag:s0] =	ssyncadd.remote.s32 $0x1  }
0x36: {  	_ =	sfence.sel $0xFFFF  }
0x37: {  	[dreg:$0x0] =	wrdreg $0xFFFFFFFF;
	(pc) =	sbr.abs _section_cstart, $3  }
0x38: {  	[dreg:$0x1] =	wrdreg $0xFFFFFFFF  }
0x39: {  	_ =	task.clear_ibuf [dreg:s7], $0x2FFFF;
	_ =	strace $0x9FFFFFFF  }
0x3a: {  	(tm) =	ssettm $0x7FFFFFFF  }
0x3b: {  	_ =	shalt  }
tec
execute0_lowered:
.L_overlay_start_1:
0x0: {  	(tag) =	ssettag $0x1  }
0x1: {  	s1 =	rddreg [dreg:$0x0]  }
0x2: {  	s2 =	rddreg [dreg:$0x1]  }
0x3: {  	s0 =	rddreg [dreg:$0x2]  }
0x4: {  	s4 =	srdreg.scid;
	_ =	strace $0x8000004A;
	s6 =	simm.s32 $0x2  }
0x5: {  	s12 =	simm.s32 $0x0;
	p0 =	por $0x0, $0x0;
	s11 =	simm.s32 $0x0  }
.Ltmp0:
0x6: {  	s13 =	simm.s32 $0x0;
	s8 =	simm.s32 $0x0;
	(pc) =	sbr.rel .LBB1_1-.Ltmp0, $4  }
0x7: {  	s9 =	simm.s32 $0x0;
	s3 =	sadd.s32 $0x800, s1;
	s4 =	sshll.u32 s4, $0x4  }
0x8: {  	s1 =	stileid.u32;
	s5 =	sand.u32 $0x10, s4;
	s4 =	simm.s32 $0x1  }
0x9: {  	s7 =	simm.s32 $0x0;
	s5 =	sor.u32 s1, s5;
	[sflag:s4] =	ssyncpa.u1 $0x0  }
0xa: {  	[sflag:s6] =	ssyncpa.u1 $0x0;
	s6 =	simm.s32 $0x800;
	s10 =	smov.u32 s5  }
.LBB1_5:
0xb: {  	s14 =	sadd.s32 $0x1, s8  }
0xc: {  	s11 =	sadd.s32 $0x80, s9;
	s15 =	smov.u32 s9;
	p2 =	sgt.s32 s14, $0x63  }
0xd: {  	s15 =	smov.u32 @p2 s11  }
0xe: {  	s17 =	smov.u32 s10;
	s11 =	sadd.s32 $0x20, s10;
	p3 =	sgt.s32 s15, $0xFF  }
0xf: {  	p1 =	slt.u32 s7, $0x2;
	s17 =	smov.u32 @p3 s11  }
0x10: {  	s7 =	sadd.s32 $0x1, s7;
	s14 =	simm.s32 @p2 $0x0;
	p2 =	sgt.s32 s17, $0x1F  }
0x11: {  	s17 =	smov.u32 @p2 s5;
	p2 =	sne.s32 s7, $0xCA  }
.Ltmp1:
0x12: {  	s16 =	simm.s32 @!p1 $0x2;
	(pc) =	sbr.rel @!p2 .LBB1_6-.Ltmp1, $4  }
0x13: {  	s12 =	smov.u32 s8;
	_ =	swait.ge @!p1 [sflag:s16], $0x2000  }
0x14: {  	s13 =	smov.u32 s10;
	p0 =	por !p0, !p0;
	[sflag:s16] =	ssyncset.done @!p1 $0x0  }
0x15: {  	s8 =	smov.u32 s14;
	s15 =	simm.s32 @p3 $0x0;
	s11 =	smov.u32 s9  }
0x16: {  	[sflag:s16] =	ssyncadd.s32 @!p1 $0xFFFFE000;
	s9 =	smov.u32 s15;
	s10 =	smov.u32 s17  }
.LBB1_1:
0x17: {  	p1 =	sgt.u32 s7, $0xC7  }
0x18: {  	s14 =	sand.u32 @!p1 $0x1FFFFFF, s8;
	s16 =	smul.u32 @!p1 $0x68000, s10  }
0x19: {  	s15 =	smulhi.u32 @!p1 $0x2762763, s14  }
0x1a: {  	s18 =	smul.u32 @!p1 $0x680, s9  }
0x1b: {  	s15 =	smul.u32 @!p1 $0x68, s15  }
0x1c: {  	s16 =	sadd.s32 @!p1 s3, s16  }
0x1d: {  	s17 =	sxor.u32 @!p1 $0xFFFFFFFF, s7;
	s16 =	sadd.s32 @!p1 s18, s16;
	s14 =	ssub.s32 @!p1 s14, s15  }
0x1e: {  	s15 =	sshll.u32 @!p1 s17, $0xD;
	s17 =	simm.s32 @!p1 $0x3400;
	s14 =	sshll.u32 @!p1 s14, $0x4  }
0x1f: {  	s15 =	sand.u32 @!p1 $0x2000, s15;
	s14 =	sadd.s32 @!p1 s14, s16;
	s16 =	simm.s32 @!p1 $0x40  }
0x20: {  	[tilespmem:s15], [sflag:$0x1] =	stream.strided.gather @!p1 [hbm4b:s14+s16], $0x2000, s17, s16, $0x38;
	[tilespmem:$0x8080] =	vst v63  }
0x21: {  	p1 =	seq.s32 s7, $0x0  }
0x22: {  	p2 =	seq.s32 @!p1 s7, $0xC9  }
0x23: {  	p1 =	por p1, p2  }
.Ltmp2:
0x24: {  	_ = 	snop;
	(pc) =	sbr.rel @p1 .LBB1_5-.Ltmp2, $1  }
0x25: {  	_ =	sdelay $0x3  }
0x26: {  	s14 =	simm.s32 $0x1  }
0x27: {  	_ =	swait.ge [sflag:s4], $0x2000;
	s14 =	simm.s32 @!p0 $0x0  }
0x28: {  	[sflag:s4] =	ssyncset.done $0x0;
	s15 =	sshll.u32 s14, $0xD  }
0x29: {  	[sflag:s4] =	ssyncadd.s32 $0xFFFFE000;
	s18 =	sor.u32 $0x20, s15  }
0x2a: {  	s14 =	smul.u32 $0x8100, s14;
	v3 =	vld [tilespmem:s18+$0x10]  }
0x2b: {  	s30 =	sand.u32 $0x1, s7;
	v2 =	vld [tilespmem:s18+$0xFFFFFFF0]  }
0x2c: {  	s15 =	smul.u32 $0x8100, s30;
	s14 =	sshrl.u32 s14, $0x2;
	v0 =	vld [tilespmem:s18+$0x0]  }
0x2d: {  	v1 =	vld [tilespmem:s18+$0xFFFFFFE0];
	s16 =	sor.u32 $0x4000, s14  }
0x2e: {  	s31 =	sshrl.u32 s15, $0x2;
	s15 =	sadd.s32 $0x0, s16  }
0x2f: {  	s17 =	simm.s32 $0x4;
	s18 =	sadd.s32 $0x40, s18;
	s14 =	sor.u32 $0x4000, s31;
	[tilespmem:s15+$0x1830 ss:$0x81] =	vst.msk $0xffff, v3  }
.LBB1_3:
0x30: {  	v3 =	vld [tilespmem:s18+$0x10];
	p1 =	sne.s32 s17, $0x1FC;
	[tilespmem:s15+$0x810 ss:$0x81] =	vst.msk $0xffff, v2;
	s19 =	smov.u32 s17;
	s17 =	sadd.s32 $0x4, s17  }
.Ltmp3:
0x31: {  	v2 =	vld [tilespmem:s18+$0xFFFFFFF0];
	[tilespmem:s15+$0x1020 ss:$0x81] =	vst.msk $0xffff, v0;
	(pc) =	sbr.rel @p1 .LBB1_3-.Ltmp3, $4  }
0x32: {  	v0 =	vld [tilespmem:s18+$0x0];
	[tilespmem:s15+$0x0 ss:$0x81] =	vst.msk $0xffff, v1  }
0x33: {  	s15 =	sshra.s32 s19, $0x2;
	v1 =	vld [tilespmem:s18+$0xFFFFFFE0]  }
0x34: {  	s15 =	sadd.s32 s15, s16  }
0x35: {  	s18 =	sadd.s32 $0x40, s18;
	[tilespmem:s15+$0x1830 ss:$0x81] =	vst.msk $0xffff, v3  }
0x36: {  	s13 =	smul.u32 $0x32000, s13  }
0x37: {  	s16 =	sand.u32 $0x780, s11  }
.Ltmp4:
0x38: {  	s12 =	sshll.u32 s12, $0xB;
	s13 =	sadd.s32 s2, s13;
	(pc) =	sbr.rel .LBB1_5-.Ltmp4, $4  }
0x39: {  	[tilespmem:s15+$0x810 ss:$0x81] =	vst.msk $0xffff, v2;
	s17 =	sshrl.u32 s11, $0x3;
	s30 =	sand.u32 $0x7, s11;
	s13 =	sadd.s32 s16, s13  }
0x3a: {  	[tilespmem:s15+$0x1020 ss:$0x81] =	vst.msk $0xffff, v0;
	s31 =	sand.u32 $0xF, s17;
	s11 =	sshll.u32 s30, $0x12;
	s12 =	sadd.s32 s12, s13  }
0x3b: {  	[tilespmem:s15+$0x0 ss:$0x81] =	vst.msk $0xffff, v1;
	s11 =	sor.u32 $0x400, s11;
	s12 =	sadd.s32 s31, s12  }
0x3c: {  	[hbm4b:s12+s11] =	stream.strided.scatter [tilespmem:s14], [sflag:$0x2], $0x2000, s6, s11, $0x20;
	[tilespmem:$0x8080] =	vst v63  }
.LBB1_6:
0x3d: {  	_ =	sfence.sel $0x180000  }
0x3e: {  	s2 =	simm.s32 $0x1;
	[bflag:$0x0] =	sbarrier.arrive $0xFFFF  }
0x3f: {  	s31 =	simm.s32 $0x2;
	[sflag:s2] =	ssyncpa.u1 $0x1  }
0x40: {  	[sflag:s31] =	ssyncpa.u1 $0x1  }
0x41: {  	p0 =	sne.s32 s1, $0x0;
	_ =	strace $0x9000004A  }
0x42: {  	s0 =	sadd.s32 @!p0 $0x100000, s0;
	[bflag:$0x2] =	sbarrier.arrive $0xFFFF  }
0x43: {  	[sflag:s0] =	ssyncadd.tile.s32 @!p0 $0x1;
	_ =	shalt  }
.Lfunc_end1:
_tile_overlayer_lowered:
.L_overlay_start_2:
0x44: {  	(tag) =	ssettag $0x2  }
0x45: {  	s0 =	rddreg [dreg:$0x0];
	s2 =	stileid.u32  }
0x46: {  	s1 =	rddreg [dreg:$0x1];
	p0 =	sne.s32 s2, $0x0  }
0x47: {  	s3 =	rddreg [dreg:$0x2];
	[bflag:$0x3] =	sbarrier.arrive $0xFFFF;
	s2 =	simm.s32 @!p0 $0x1C01  }
0x48: {  	[timem:s3], [sflag:s2] =	dma.local @!p0 [hbm:s0], s1  }
0x49: {  	s0 =	simm.s32 @!p0 $0x1  }
0x4a: {  	_ =	swait.ge @!p0 [sflag:s0], s1  }
0x4b: {  	s1 =	ssub.s32 @!p0 $0x0, s1;
	[sflag:s0] =	ssyncset.done @!p0 $0x0  }
0x4c: {  	[sflag:s0] =	ssyncadd.s32 @!p0 s1  }
0x4d: {  	[bflag:$0x3] =	sbarrier.arrive $0xFFFF  }
0x4e: {  	_ =	shalt  }

</sc_bundles>
